<compile_context>
chip_gen: v7x
topology: tpu7x:2x2x1
jax: 0.10.2.dev20260603
libtpu: 0.0.44.dev20260713+nightly
codegen_flags: <defaults>
</compile_context>

<pallas_src>
import functools

import jax
import jax.numpy as jnp
from jax import lax
from jax.experimental import pallas as pl
from jax.experimental.pallas import tpu as pltpu
from jax.experimental.pallas import tpu_sc as plsc

VOCAB = 10000
D = 128
L = 128
NC = 2
NS = 16
NW = NC * NS
NBUF = 3


def _make_sc_gather(n_rows: int):
    n_chunks = n_rows // L
    per_w = n_chunks // NW
    rem = per_w % NBUF
    assert n_chunks % NW == 0 and per_w > NBUF + rem

    mesh = plsc.VectorSubcoreMesh(core_axis_name="c", subcore_axis_name="s")

    @functools.partial(
        pl.kernel,
        out_type=jax.ShapeDtypeStruct((n_rows, D), jnp.float32),
        mesh=mesh,
        scratch_types=[
            pltpu.VMEM((NBUF, 1, L), jnp.int32),
            pltpu.VMEM((NBUF, L, D), jnp.float32),
            pltpu.VMEM_SHARED((VOCAB, D), jnp.float32),
        ]
        + [pltpu.SemaphoreType.DMA] * NBUF
        + [pltpu.SemaphoreType.DMA] * NBUF
        + [pltpu.SemaphoreType.DMA] * NBUF,
    )
    def k(table_hbm, idx_hbm, out_hbm, idx_v, rows_v, table_sp, *sems):
        isem = sems[:NBUF]
        gsem = sems[NBUF:2 * NBUF]
        osem = sems[2 * NBUF:]
        sid = lax.axis_index("s")
        wid = sid * NC + lax.axis_index("c")
        chunk0 = wid * per_w

        vslice = (VOCAB // NS) // 8 * 8
        pltpu.sync_copy(table_hbm.at[pl.ds(sid * vslice, vslice)],
                        table_sp.at[pl.ds(sid * vslice, vslice)])
        tail = NS * vslice
        @pl.when(sid == NS - 1)
        def _():
            pltpu.sync_copy(table_hbm.at[pl.ds(tail, VOCAB - tail)],
                            table_sp.at[pl.ds(tail, VOCAB - tail)])
        plsc.subcore_barrier()

        def start_idx(j, b):
            pltpu.async_copy(idx_hbm.at[pl.ds(chunk0 + j, 1)], idx_v.at[b],
                             isem[b])

        def start_gather(b):
            pltpu.async_copy(table_sp.at[idx_v.at[b, 0]], rows_v.at[b],
                             gsem[b])

        def wait_idx(b):
            pltpu.make_async_copy(idx_hbm.at[pl.ds(0, 1)], idx_v.at[b],
                                  isem[b]).wait()

        def wait_gather(b):
            pltpu.make_async_copy(table_hbm.at[pl.ds(0, L)], rows_v.at[b],
                                  gsem[b]).wait()

        def wait_scatter(b):
            pltpu.make_async_copy(rows_v.at[b], out_hbm.at[pl.ds(0, L)],
                                  osem[b]).wait()

        start_idx(0, 0)
        start_idx(1, 1)
        wait_idx(0)
        start_gather(0)

        def steady(j0, _):
            for b in range(NBUF):
                j = j0 + b
                b1 = (b + 1) % NBUF
                b2 = (b + 2) % NBUF

                @pl.when(j + 2 < per_w)
                def _():
                    start_idx(j + 2, b2)

                @pl.when(j + 1 < per_w)
                def _():
                    @pl.when(j >= 2)
                    def _():
                        wait_scatter(b1)
                    wait_idx(b1)
                    start_gather(b1)

                wait_gather(b)
                pltpu.async_copy(
                    rows_v.at[b], out_hbm.at[pl.ds((chunk0 + j) * L, L)],
                    osem[b])
            return 0

        lax.fori_loop(0, (per_w - rem) // NBUF,
                      lambda i, c: steady(i * NBUF, c), 0)

        for j in range(per_w - rem, per_w):
            b = j % NBUF
            b1 = (b + 1) % NBUF
            if j + 1 < per_w:
                wait_scatter(b1)
                wait_idx(b1)
                start_gather(b1)
            wait_gather(b)
            pltpu.async_copy(
                rows_v.at[b], out_hbm.at[pl.ds((chunk0 + j) * L, L)],
                osem[b])

        for b in range(NBUF):
            wait_scatter(b)

    return k


_gather = _make_sc_gather(16384 * 200)


@jax.jit
def kernel(x, weight):
    idx2d = x.reshape(-1, L).astype(jnp.int32)
    out = _gather(weight, idx2d)
    return out.reshape(x.shape + (D,))

# --- scband reference (transcript-rebuilt; emitter-appended) ---
"""Pipeline reference for scband-decoder-61933428413690 (READ-ONLY COPY).

The authoritative reference and input builder live on the scoring server;
editing this copy changes nothing except your own understanding.
"""

import jax, jax.numpy as jnp
import numpy as np

VOCAB = 10000
EMBED_DIM = 128

def setup_inputs(seed: int = 0) -> dict:
    key = jax.random.key(seed)
    k_idx, k_w = jax.random.split(key)
    x = jax.random.randint(k_idx, (16384, 200), 0, VOCAB, dtype=jnp.int64) if jax.config.jax_enable_x64 else jax.random.randint(k_idx, (16384, 200), 0, VOCAB, dtype=jnp.int32)
    weight = jax.random.normal(k_w, (VOCAB, EMBED_DIM), dtype=jnp.float32) * 0.02
    return {"x": x, "weight": weight}

def reference(x, weight):
    # nn.Embedding forward: gather rows of the table by index
    return jnp.take(weight, x, axis=0)

if __name__ == "__main__":
    import jax
    _d = setup_inputs()
    print(jax.jit(kernel)(*tuple(_d.values())))

</pallas_src>

<mosaic_0001>
#map = affine_map<(d0, d1) -> (0, 0)>
module attributes {stable_mosaic.version = 14 : i64} {
  func.func @k(%arg0: i32, %arg1: i32, %arg2: memref<10000x128xf32, #tpu.memory_space<hbm>>, %arg3: memref<25600x128xi32, #tpu.memory_space<hbm>>, %arg4: memref<3276800x128xf32, #tpu.memory_space<hbm>>, %arg5: memref<3x1x128xi32, #tpu.memory_space<vmem>>, %arg6: memref<3x128x128xf32, #tpu.memory_space<vmem>>, %arg7: memref<10000x128xf32, #tpu.memory_space<vmem_shared>>, %arg8: memref<!tpu.dma_semaphore, #tpu.memory_space<semaphore_mem>>, %arg9: memref<!tpu.dma_semaphore, #tpu.memory_space<semaphore_mem>>, %arg10: memref<!tpu.dma_semaphore, #tpu.memory_space<semaphore_mem>>, %arg11: memref<!tpu.dma_semaphore, #tpu.memory_space<semaphore_mem>>, %arg12: memref<!tpu.dma_semaphore, #tpu.memory_space<semaphore_mem>>, %arg13: memref<!tpu.dma_semaphore, #tpu.memory_space<semaphore_mem>>, %arg14: memref<!tpu.dma_semaphore, #tpu.memory_space<semaphore_mem>>, %arg15: memref<!tpu.dma_semaphore, #tpu.memory_space<semaphore_mem>>, %arg16: memref<!tpu.dma_semaphore, #tpu.memory_space<semaphore_mem>>) attributes {dimension_semantics = [#tpu.dimension_semantics<core_parallel>, #tpu.dimension_semantics<subcore_parallel>], iteration_bounds = array<i64: 2, 16>, scalar_prefetch = 0 : i64, scratch_operands = 12 : i64, tpu.core_type = #tpu.core_type<sc_vector_subcore>, window_params = [{transform_indices = #map}, {transform_indices = #map}, {transform_indices = #map}]} {
    %mul3A = arith.constant 2 : i32
    %mul3A_0 = arith.muli %arg1, %mul3A : i32
    %add3A = arith.addi %mul3A_0, %arg0 : i32
    %mul3A_1 = arith.constant 800 : i32
    %mul3A_2 = arith.muli %add3A, %mul3A_1 : i32
    %mul3A_3 = arith.constant 624 : i32
    %mul3A_4 = arith.muli %arg1, %mul3A_3 : i32
    %mul3A_5 = arith.constant 624 : i32
    %mul3A_6 = arith.muli %arg1, %mul3A_5 : i32
    "tpu.region"() ({
      %run_scoped3A = tpu.sem_alloc : memref<!tpu.dma_semaphore, #tpu.memory_space<semaphore_mem>>
      %dma_start3A_223 = arith.constant 0 : i32
      %dma_start3A_224 = tpu.memref_slice %arg7[%mul3A_6, %dma_start3A_223] : memref<10000x128xf32, #tpu.memory_space<vmem_shared>> -> memref<624x128xf32, #tpu.memory_space<vmem_shared>>
      %dma_start3A_225 = arith.constant 0 : i32
      %dma_start3A_226 = tpu.memref_slice %arg2[%mul3A_4, %dma_start3A_225] : memref<10000x128xf32, #tpu.memory_space<hbm>> -> memref<624x128xf32, #tpu.memory_space<hbm>>
      tpu.enqueue_dma source(%dma_start3A_226 : memref<624x128xf32, #tpu.memory_space<hbm>>) target(%dma_start3A_224 : memref<624x128xf32, #tpu.memory_space<vmem_shared>>) target_semaphore(%run_scoped3A : memref<!tpu.dma_semaphore, #tpu.memory_space<semaphore_mem>>)
      %dma_wait3A_227 = arith.constant 0 : i32
      %dma_wait3A_228 = tpu.memref_slice %arg7[%mul3A_6, %dma_wait3A_227] : memref<10000x128xf32, #tpu.memory_space<vmem_shared>> -> memref<624x128xf32, #tpu.memory_space<vmem_shared>>
      %dma_wait3A_229 = arith.constant 0 : i32
      %dma_wait3A_230 = tpu.memref_slice %arg2[%mul3A_4, %dma_wait3A_229] : memref<10000x128xf32, #tpu.memory_space<hbm>> -> memref<624x128xf32, #tpu.memory_space<hbm>>
      tpu.wait_dma2 semaphore(%run_scoped3A : memref<!tpu.dma_semaphore, #tpu.memory_space<semaphore_mem>>) src(%dma_wait3A_230 : memref<624x128xf32, #tpu.memory_space<hbm>>) dst(%dma_wait3A_228 : memref<624x128xf32, #tpu.memory_space<vmem_shared>>)
      tpu.yield
    }) : () -> ()
    %eq3A = arith.constant 15 : i32
    %eq3A_7 = arith.cmpi eq, %arg1, %eq3A : i32
    %convert_element_type3A = arith.extui %eq3A_7 : i1 to i32
    %cond3A = arith.constant 0 : i32
    %cond3A_8 = arith.cmpi ne, %convert_element_type3A, %cond3A : i32
    scf.if %cond3A_8 {
      "tpu.region"() ({
        %run_scoped3A = tpu.sem_alloc : memref<!tpu.dma_semaphore, #tpu.memory_space<semaphore_mem>>
        %dma_start3A_223 = arith.constant 9984 : i32
        %dma_start3A_224 = arith.constant 0 : i32
        %dma_start3A_225 = tpu.memref_slice %arg7[%dma_start3A_223, %dma_start3A_224] : memref<10000x128xf32, #tpu.memory_space<vmem_shared>> -> memref<16x128xf32, #tpu.memory_space<vmem_shared>>
        %dma_start3A_226 = arith.constant 9984 : i32
        %dma_start3A_227 = arith.constant 0 : i32
        %dma_start3A_228 = tpu.memref_slice %arg2[%dma_start3A_226, %dma_start3A_227] : memref<10000x128xf32, #tpu.memory_space<hbm>> -> memref<16x128xf32, #tpu.memory_space<hbm>>
        tpu.enqueue_dma source(%dma_start3A_228 : memref<16x128xf32, #tpu.memory_space<hbm>>) target(%dma_start3A_225 : memref<16x128xf32, #tpu.memory_space<vmem_shared>>) target_semaphore(%run_scoped3A : memref<!tpu.dma_semaphore, #tpu.memory_space<semaphore_mem>>)
        %dma_wait3A_229 = arith.constant 9984 : i32
        %dma_wait3A_230 = arith.constant 0 : i32
        %dma_wait3A_231 = tpu.memref_slice %arg7[%dma_wait3A_229, %dma_wait3A_230] : memref<10000x128xf32, #tpu.memory_space<vmem_shared>> -> memref<16x128xf32, #tpu.memory_space<vmem_shared>>
        %dma_wait3A_232 = arith.constant 9984 : i32
        %dma_wait3A_233 = arith.constant 0 : i32
        %dma_wait3A_234 = tpu.memref_slice %arg2[%dma_wait3A_232, %dma_wait3A_233] : memref<10000x128xf32, #tpu.memory_space<hbm>> -> memref<16x128xf32, #tpu.memory_space<hbm>>
        tpu.wait_dma2 semaphore(%run_scoped3A : memref<!tpu.dma_semaphore, #tpu.memory_space<semaphore_mem>>) src(%dma_wait3A_234 : memref<16x128xf32, #tpu.memory_space<hbm>>) dst(%dma_wait3A_231 : memref<16x128xf32, #tpu.memory_space<vmem_shared>>)
        tpu.yield
      }) : () -> ()
    } else {
    }
    %barrier3A = arith.constant 0 : index
    tpu.barrier barrier_id(%barrier3A)
    %add3A_9 = arith.constant 0 : i32
    %add3A_10 = arith.addi %mul3A_2, %add3A_9 : i32
    %dma_start3A = arith.constant 0 : i32
    %dma_start3A_11 = arith.constant 0 : i32
    %dma_start3A_12 = arith.constant 0 : i32
    %dma_start3A_13 = tpu.memref_slice %arg5[%dma_start3A, %dma_start3A_11, %dma_start3A_12] : memref<3x1x128xi32, #tpu.memory_space<vmem>> -> memref<1x1x128xi32, #tpu.memory_space<vmem>>
    %dma_start3A_14 = tpu.memref_squeeze %dma_start3A_13 : memref<1x1x128xi32, #tpu.memory_space<vmem>> -> memref<1x128xi32, #tpu.memory_space<vmem>>
    %dma_start3A_15 = arith.constant 0 : i32
    %dma_start3A_16 = tpu.memref_slice %arg3[%add3A_10, %dma_start3A_15] : memref<25600x128xi32, #tpu.memory_space<hbm>> -> memref<1x128xi32, #tpu.memory_space<hbm>>
    %dma_start3A_17 = arith.constant 0 : i32
    %dma_start3A_18 = arith.constant 0 : i32
    %dma_start3A_19 = tpu.memref_slice %arg5[%dma_start3A, %dma_start3A_17, %dma_start3A_18] : memref<3x1x128xi32, #tpu.memory_space<vmem>> -> memref<1x1x128xi32, #tpu.memory_space<vmem>>
    %dma_start3A_20 = tpu.memref_squeeze %dma_start3A_19 : memref<1x1x128xi32, #tpu.memory_space<vmem>> -> memref<1x128xi32, #tpu.memory_space<vmem>>
    %dma_start3A_21 = arith.constant 0 : i32
    %dma_start3A_22 = tpu.memref_slice %arg3[%add3A_10, %dma_start3A_21] : memref<25600x128xi32, #tpu.memory_space<hbm>> -> memref<1x128xi32, #tpu.memory_space<hbm>>
    tpu.enqueue_dma source(%dma_start3A_22 : memref<1x128xi32, #tpu.memory_space<hbm>>) target(%dma_start3A_20 : memref<1x128xi32, #tpu.memory_space<vmem>>) target_semaphore(%arg8 : memref<!tpu.dma_semaphore, #tpu.memory_space<semaphore_mem>>)
    %add3A_23 = arith.constant 1 : i32
    %add3A_24 = arith.addi %mul3A_2, %add3A_23 : i32
    %dma_start3A_25 = arith.constant 1 : i32
    %dma_start3A_26 = arith.constant 0 : i32
    %dma_start3A_27 = arith.constant 0 : i32
    %dma_start3A_28 = tpu.memref_slice %arg5[%dma_start3A_25, %dma_start3A_26, %dma_start3A_27] : memref<3x1x128xi32, #tpu.memory_space<vmem>> -> memref<1x1x128xi32, #tpu.memory_space<vmem>>
    %dma_start3A_29 = tpu.memref_squeeze %dma_start3A_28 : memref<1x1x128xi32, #tpu.memory_space<vmem>> -> memref<1x128xi32, #tpu.memory_space<vmem>>
    %dma_start3A_30 = arith.constant 0 : i32
    %dma_start3A_31 = tpu.memref_slice %arg3[%add3A_24, %dma_start3A_30] : memref<25600x128xi32, #tpu.memory_space<hbm>> -> memref<1x128xi32, #tpu.memory_space<hbm>>
    %dma_start3A_32 = arith.constant 0 : i32
    %dma_start3A_33 = arith.constant 0 : i32
    %dma_start3A_34 = tpu.memref_slice %arg5[%dma_start3A_25, %dma_start3A_32, %dma_start3A_33] : memref<3x1x128xi32, #tpu.memory_space<vmem>> -> memref<1x1x128xi32, #tpu.memory_space<vmem>>
    %dma_start3A_35 = tpu.memref_squeeze %dma_start3A_34 : memref<1x1x128xi32, #tpu.memory_space<vmem>> -> memref<1x128xi32, #tpu.memory_space<vmem>>
    %dma_start3A_36 = arith.constant 0 : i32
    %dma_start3A_37 = tpu.memref_slice %arg3[%add3A_24, %dma_start3A_36] : memref<25600x128xi32, #tpu.memory_space<hbm>> -> memref<1x128xi32, #tpu.memory_space<hbm>>
    tpu.enqueue_dma source(%dma_start3A_37 : memref<1x128xi32, #tpu.memory_space<hbm>>) target(%dma_start3A_35 : memref<1x128xi32, #tpu.memory_space<vmem>>) target_semaphore(%arg9 : memref<!tpu.dma_semaphore, #tpu.memory_space<semaphore_mem>>)
    %dma_wait3A = arith.constant 0 : i32
    %dma_wait3A_38 = arith.constant 0 : i32
    %dma_wait3A_39 = arith.constant 0 : i32
    %dma_wait3A_40 = tpu.memref_slice %arg5[%dma_wait3A, %dma_wait3A_38, %dma_wait3A_39] : memref<3x1x128xi32, #tpu.memory_space<vmem>> -> memref<1x1x128xi32, #tpu.memory_space<vmem>>
    %dma_wait3A_41 = tpu.memref_squeeze %dma_wait3A_40 : memref<1x1x128xi32, #tpu.memory_space<vmem>> -> memref<1x128xi32, #tpu.memory_space<vmem>>
    %dma_wait3A_42 = arith.constant 0 : i32
    %dma_wait3A_43 = arith.constant 0 : i32
    %dma_wait3A_44 = tpu.memref_slice %arg3[%dma_wait3A_42, %dma_wait3A_43] : memref<25600x128xi32, #tpu.memory_space<hbm>> -> memref<1x128xi32, #tpu.memory_space<hbm>>
    %dma_wait3A_45 = arith.constant 0 : i32
    %dma_wait3A_46 = arith.constant 0 : i32
    %dma_wait3A_47 = tpu.memref_slice %arg5[%dma_wait3A, %dma_wait3A_45, %dma_wait3A_46] : memref<3x1x128xi32, #tpu.memory_space<vmem>> -> memref<1x1x128xi32, #tpu.memory_space<vmem>>
    %dma_wait3A_48 = tpu.memref_squeeze %dma_wait3A_47 : memref<1x1x128xi32, #tpu.memory_space<vmem>> -> memref<1x128xi32, #tpu.memory_space<vmem>>
    %dma_wait3A_49 = arith.constant 0 : i32
    %dma_wait3A_50 = arith.constant 0 : i32
    %dma_wait3A_51 = tpu.memref_slice %arg3[%dma_wait3A_49, %dma_wait3A_50] : memref<25600x128xi32, #tpu.memory_space<hbm>> -> memref<1x128xi32, #tpu.memory_space<hbm>>
    tpu.wait_dma2 semaphore(%arg8 : memref<!tpu.dma_semaphore, #tpu.memory_space<semaphore_mem>>) src(%dma_wait3A_51 : memref<1x128xi32, #tpu.memory_space<hbm>>) dst(%dma_wait3A_48 : memref<1x128xi32, #tpu.memory_space<vmem>>)
    %dma_start3A_52 = arith.constant 0 : i32
    %dma_start3A_53 = arith.constant 0 : i32
    %dma_start3A_54 = arith.constant 0 : i32
    %dma_start3A_55 = arith.constant 0 : i32
    %dma_start3A_56 = arith.constant 0 : i32
    %dma_start3A_57 = tpu.memref_slice %arg6[%dma_start3A_54, %dma_start3A_55, %dma_start3A_56] : memref<3x128x128xf32, #tpu.memory_space<vmem>> -> memref<1x128x128xf32, #tpu.memory_space<vmem>>
    %dma_start3A_58 = tpu.memref_squeeze %dma_start3A_57 : memref<1x128x128xf32, #tpu.memory_space<vmem>> -> memref<128x128xf32, #tpu.memory_space<vmem>>
    %dma_start3A_59 = arith.constant 0 : i32
    %dma_start3A_60 = tpu.memref_slice %arg5[%dma_start3A_52, %dma_start3A_53, %dma_start3A_59] : memref<3x1x128xi32, #tpu.memory_space<vmem>> -> memref<1x1x128xi32, #tpu.memory_space<vmem>>
    %dma_start3A_61 = tpu.memref_squeeze %dma_start3A_60 : memref<1x1x128xi32, #tpu.memory_space<vmem>> -> memref<128xi32, #tpu.memory_space<vmem>>
    %dma_start3A_62 = arith.constant 0 : i32
    %dma_start3A_63 = arith.constant 0 : i32
    %dma_start3A_64 = tpu.memref_slice %arg7[%dma_start3A_62, %dma_start3A_63] : memref<10000x128xf32, #tpu.memory_space<vmem_shared>> -> memref<10000x128xf32, #tpu.memory_space<vmem_shared>>
    tpu.enqueue_indirect_dma source(%dma_start3A_64 : memref<10000x128xf32, #tpu.memory_space<vmem_shared>>) target(%dma_start3A_58 : memref<128x128xf32, #tpu.memory_space<vmem>>) offsets(%dma_start3A_61 : memref<128xi32, #tpu.memory_space<vmem>>) semaphore(%arg11 : memref<!tpu.dma_semaphore, #tpu.memory_space<semaphore_mem>>)
    %scan3A = arith.constant 0 : i32
    %scan3A_65 = arith.constant 0 : i32
    %scan3A_66 = arith.constant 266 : i32
    %scan3A_67 = arith.addi %scan3A_65, %scan3A_66 : i32
    %scan3A_68 = arith.constant 1 : i32
    %scan3A_69 = scf.for %scan3A_223 = %scan3A_65 to %scan3A_67 step %scan3A_68 iter_args(%scan3A_224 = %scan3A) -> (i32)  : i32 {
      %mul3A_225 = arith.constant 3 : i32
      %mul3A_226 = arith.muli %scan3A_223, %mul3A_225 : i32
      %add3A_227 = arith.constant 0 : i32
      %add3A_228 = arith.addi %mul3A_226, %add3A_227 : i32
      %add3A_229 = arith.constant 2 : i32
      %add3A_230 = arith.addi %add3A_228, %add3A_229 : i32
      %lt3A = arith.constant 800 : i32
      %lt3A_231 = arith.cmpi slt, %add3A_230, %lt3A : i32
      %convert_element_type3A_232 = arith.extui %lt3A_231 : i1 to i32
      %cond3A_233 = arith.constant 0 : i32
      %cond3A_234 = arith.cmpi ne, %convert_element_type3A_232, %cond3A_233 : i32
      scf.if %cond3A_234 {
        %add3A_368 = arith.constant 2 : i32
        %add3A_369 = arith.addi %add3A_228, %add3A_368 : i32
        %add3A_370 = arith.addi %mul3A_2, %add3A_369 : i32
        %dma_start3A_371 = arith.constant 2 : i32
        %dma_start3A_372 = arith.constant 0 : i32
        %dma_start3A_373 = arith.constant 0 : i32
        %dma_start3A_374 = tpu.memref_slice %arg5[%dma_start3A_371, %dma_start3A_372, %dma_start3A_373] : memref<3x1x128xi32, #tpu.memory_space<vmem>> -> memref<1x1x128xi32, #tpu.memory_space<vmem>>
        %dma_start3A_375 = tpu.memref_squeeze %dma_start3A_374 : memref<1x1x128xi32, #tpu.memory_space<vmem>> -> memref<1x128xi32, #tpu.memory_space<vmem>>
        %dma_start3A_376 = arith.constant 0 : i32
        %dma_start3A_377 = tpu.memref_slice %arg3[%add3A_370, %dma_start3A_376] : memref<25600x128xi32, #tpu.memory_space<hbm>> -> memref<1x128xi32, #tpu.memory_space<hbm>>
        %dma_start3A_378 = arith.constant 0 : i32
        %dma_start3A_379 = arith.constant 0 : i32
        %dma_start3A_380 = tpu.memref_slice %arg5[%dma_start3A_371, %dma_start3A_378, %dma_start3A_379] : memref<3x1x128xi32, #tpu.memory_space<vmem>> -> memref<1x1x128xi32, #tpu.memory_space<vmem>>
        %dma_start3A_381 = tpu.memref_squeeze %dma_start3A_380 : memref<1x1x128xi32, #tpu.memory_space<vmem>> -> memref<1x128xi32, #tpu.memory_space<vmem>>
        %dma_start3A_382 = arith.constant 0 : i32
        %dma_start3A_383 = tpu.memref_slice %arg3[%add3A_370, %dma_start3A_382] : memref<25600x128xi32, #tpu.memory_space<hbm>> -> memref<1x128xi32, #tpu.memory_space<hbm>>
        tpu.enqueue_dma source(%dma_start3A_383 : memref<1x128xi32, #tpu.memory_space<hbm>>) target(%dma_start3A_381 : memref<1x128xi32, #tpu.memory_space<vmem>>) target_semaphore(%arg10 : memref<!tpu.dma_semaphore, #tpu.memory_space<semaphore_mem>>)
      } else {
      }
      %add3A_235 = arith.constant 1 : i32
      %add3A_236 = arith.addi %add3A_228, %add3A_235 : i32
      %lt3A_237 = arith.constant 800 : i32
      %lt3A_238 = arith.cmpi slt, %add3A_236, %lt3A_237 : i32
      %convert_element_type3A_239 = arith.extui %lt3A_238 : i1 to i32
      %cond3A_240 = arith.constant 0 : i32
      %cond3A_241 = arith.cmpi ne, %convert_element_type3A_239, %cond3A_240 : i32
      scf.if %cond3A_241 {
        %ge3A = arith.constant 2 : i32
        %ge3A_368 = arith.cmpi sge, %add3A_228, %ge3A : i32
        %convert_element_type3A_369 = arith.extui %ge3A_368 : i1 to i32
        %cond3A_370 = arith.constant 0 : i32
        %cond3A_371 = arith.cmpi ne, %convert_element_type3A_369, %cond3A_370 : i32
        scf.if %cond3A_371 {
          %dma_wait3A_400 = arith.constant 1 : i32
          %dma_wait3A_401 = arith.constant 0 : i32
          %dma_wait3A_402 = arith.constant 0 : i32
          %dma_wait3A_403 = tpu.memref_slice %arg6[%dma_wait3A_400, %dma_wait3A_401, %dma_wait3A_402] : memref<3x128x128xf32, #tpu.memory_space<vmem>> -> memref<1x128x128xf32, #tpu.memory_space<vmem>>
          %dma_wait3A_404 = tpu.memref_squeeze %dma_wait3A_403 : memref<1x128x128xf32, #tpu.memory_space<vmem>> -> memref<128x128xf32, #tpu.memory_space<vmem>>
          %dma_wait3A_405 = arith.constant 0 : i32
          %dma_wait3A_406 = arith.constant 0 : i32
          %dma_wait3A_407 = tpu.memref_slice %arg4[%dma_wait3A_405, %dma_wait3A_406] : memref<3276800x128xf32, #tpu.memory_space<hbm>> -> memref<128x128xf32, #tpu.memory_space<hbm>>
          %dma_wait3A_408 = arith.constant 0 : i32
          %dma_wait3A_409 = arith.constant 0 : i32
          %dma_wait3A_410 = tpu.memref_slice %arg4[%dma_wait3A_408, %dma_wait3A_409] : memref<3276800x128xf32, #tpu.memory_space<hbm>> -> memref<128x128xf32, #tpu.memory_space<hbm>>
          %dma_wait3A_411 = arith.constant 0 : i32
          %dma_wait3A_412 = arith.constant 0 : i32
          %dma_wait3A_413 = tpu.memref_slice %arg6[%dma_wait3A_400, %dma_wait3A_411, %dma_wait3A_412] : memref<3x128x128xf32, #tpu.memory_space<vmem>> -> memref<1x128x128xf32, #tpu.memory_space<vmem>>
          %dma_wait3A_414 = tpu.memref_squeeze %dma_wait3A_413 : memref<1x128x128xf32, #tpu.memory_space<vmem>> -> memref<128x128xf32, #tpu.memory_space<vmem>>
          tpu.wait_dma2 semaphore(%arg15 : memref<!tpu.dma_semaphore, #tpu.memory_space<semaphore_mem>>) src(%dma_wait3A_414 : memref<128x128xf32, #tpu.memory_space<vmem>>) dst(%dma_wait3A_410 : memref<128x128xf32, #tpu.memory_space<hbm>>)
        } else {
        }
        %dma_wait3A_372 = arith.constant 1 : i32
        %dma_wait3A_373 = arith.constant 0 : i32
        %dma_wait3A_374 = arith.constant 0 : i32
        %dma_wait3A_375 = tpu.memref_slice %arg5[%dma_wait3A_372, %dma_wait3A_373, %dma_wait3A_374] : memref<3x1x128xi32, #tpu.memory_space<vmem>> -> memref<1x1x128xi32, #tpu.memory_space<vmem>>
        %dma_wait3A_376 = tpu.memref_squeeze %dma_wait3A_375 : memref<1x1x128xi32, #tpu.memory_space<vmem>> -> memref<1x128xi32, #tpu.memory_space<vmem>>
        %dma_wait3A_377 = arith.constant 0 : i32
        %dma_wait3A_378 = arith.constant 0 : i32
        %dma_wait3A_379 = tpu.memref_slice %arg3[%dma_wait3A_377, %dma_wait3A_378] : memref<25600x128xi32, #tpu.memory_space<hbm>> -> memref<1x128xi32, #tpu.memory_space<hbm>>
        %dma_wait3A_380 = arith.constant 0 : i32
        %dma_wait3A_381 = arith.constant 0 : i32
        %dma_wait3A_382 = tpu.memref_slice %arg5[%dma_wait3A_372, %dma_wait3A_380, %dma_wait3A_381] : memref<3x1x128xi32, #tpu.memory_space<vmem>> -> memref<1x1x128xi32, #tpu.memory_space<vmem>>
        %dma_wait3A_383 = tpu.memref_squeeze %dma_wait3A_382 : memref<1x1x128xi32, #tpu.memory_space<vmem>> -> memref<1x128xi32, #tpu.memory_space<vmem>>
        %dma_wait3A_384 = arith.constant 0 : i32
        %dma_wait3A_385 = arith.constant 0 : i32
        %dma_wait3A_386 = tpu.memref_slice %arg3[%dma_wait3A_384, %dma_wait3A_385] : memref<25600x128xi32, #tpu.memory_space<hbm>> -> memref<1x128xi32, #tpu.memory_space<hbm>>
        tpu.wait_dma2 semaphore(%arg9 : memref<!tpu.dma_semaphore, #tpu.memory_space<semaphore_mem>>) src(%dma_wait3A_386 : memref<1x128xi32, #tpu.memory_space<hbm>>) dst(%dma_wait3A_383 : memref<1x128xi32, #tpu.memory_space<vmem>>)
        %dma_start3A_387 = arith.constant 1 : i32
        %dma_start3A_388 = arith.constant 0 : i32
        %dma_start3A_389 = arith.constant 1 : i32
        %dma_start3A_390 = arith.constant 0 : i32
        %dma_start3A_391 = arith.constant 0 : i32
        %dma_start3A_392 = tpu.memref_slice %arg6[%dma_start3A_389, %dma_start3A_390, %dma_start3A_391] : memref<3x128x128xf32, #tpu.memory_space<vmem>> -> memref<1x128x128xf32, #tpu.memory_space<vmem>>
        %dma_start3A_393 = tpu.memref_squeeze %dma_start3A_392 : memref<1x128x128xf32, #tpu.memory_space<vmem>> -> memref<128x128xf32, #tpu.memory_space<vmem>>
        %dma_start3A_394 = arith.constant 0 : i32
        %dma_start3A_395 = tpu.memref_slice %arg5[%dma_start3A_387, %dma_start3A_388, %dma_start3A_394] : memref<3x1x128xi32, #tpu.memory_space<vmem>> -> memref<1x1x128xi32, #tpu.memory_space<vmem>>
        %dma_start3A_396 = tpu.memref_squeeze %dma_start3A_395 : memref<1x1x128xi32, #tpu.memory_space<vmem>> -> memref<128xi32, #tpu.memory_space<vmem>>
        %dma_start3A_397 = arith.constant 0 : i32
        %dma_start3A_398 = arith.constant 0 : i32
        %dma_start3A_399 = tpu.memref_slice %arg7[%dma_start3A_397, %dma_start3A_398] : memref<10000x128xf32, #tpu.memory_space<vmem_shared>> -> memref<10000x128xf32, #tpu.memory_space<vmem_shared>>
        tpu.enqueue_indirect_dma source(%dma_start3A_399 : memref<10000x128xf32, #tpu.memory_space<vmem_shared>>) target(%dma_start3A_393 : memref<128x128xf32, #tpu.memory_space<vmem>>) offsets(%dma_start3A_396 : memref<128xi32, #tpu.memory_space<vmem>>) semaphore(%arg12 : memref<!tpu.dma_semaphore, #tpu.memory_space<semaphore_mem>>)
      } else {
      }
      %dma_wait3A_242 = arith.constant 0 : i32
      %dma_wait3A_243 = arith.constant 0 : i32
      %dma_wait3A_244 = arith.constant 0 : i32
      %dma_wait3A_245 = tpu.memref_slice %arg6[%dma_wait3A_242, %dma_wait3A_243, %dma_wait3A_244] : memref<3x128x128xf32, #tpu.memory_space<vmem>> -> memref<1x128x128xf32, #tpu.memory_space<vmem>>
      %dma_wait3A_246 = tpu.memref_squeeze %dma_wait3A_245 : memref<1x128x128xf32, #tpu.memory_space<vmem>> -> memref<128x128xf32, #tpu.memory_space<vmem>>
      %dma_wait3A_247 = arith.constant 0 : i32
      %dma_wait3A_248 = arith.constant 0 : i32
      %dma_wait3A_249 = tpu.memref_slice %arg2[%dma_wait3A_247, %dma_wait3A_248] : memref<10000x128xf32, #tpu.memory_space<hbm>> -> memref<128x128xf32, #tpu.memory_space<hbm>>
      %dma_wait3A_250 = arith.constant 0 : i32
      %dma_wait3A_251 = arith.constant 0 : i32
      %dma_wait3A_252 = tpu.memref_slice %arg6[%dma_wait3A_242, %dma_wait3A_250, %dma_wait3A_251] : memref<3x128x128xf32, #tpu.memory_space<vmem>> -> memref<1x128x128xf32, #tpu.memory_space<vmem>>
      %dma_wait3A_253 = tpu.memref_squeeze %dma_wait3A_252 : memref<1x128x128xf32, #tpu.memory_space<vmem>> -> memref<128x128xf32, #tpu.memory_space<vmem>>
      %dma_wait3A_254 = arith.constant 0 : i32
      %dma_wait3A_255 = arith.constant 0 : i32
      %dma_wait3A_256 = tpu.memref_slice %arg2[%dma_wait3A_254, %dma_wait3A_255] : memref<10000x128xf32, #tpu.memory_space<hbm>> -> memref<128x128xf32, #tpu.memory_space<hbm>>
      tpu.wait_dma2 semaphore(%arg11 : memref<!tpu.dma_semaphore, #tpu.memory_space<semaphore_mem>>) src(%dma_wait3A_256 : memref<128x128xf32, #tpu.memory_space<hbm>>) dst(%dma_wait3A_253 : memref<128x128xf32, #tpu.memory_space<vmem>>)
      %add3A_257 = arith.addi %mul3A_2, %add3A_228 : i32
      %mul3A_258 = arith.constant 128 : i32
      %mul3A_259 = arith.muli %add3A_257, %mul3A_258 : i32
      %dma_start3A_260 = arith.constant 0 : i32
      %dma_start3A_261 = arith.constant 0 : i32
      %dma_start3A_262 = arith.constant 0 : i32
      %dma_start3A_263 = tpu.memref_slice %arg6[%dma_start3A_260, %dma_start3A_261, %dma_start3A_262] : memref<3x128x128xf32, #tpu.memory_space<vmem>> -> memref<1x128x128xf32, #tpu.memory_space<vmem>>
      %dma_start3A_264 = tpu.memref_squeeze %dma_start3A_263 : memref<1x128x128xf32, #tpu.memory_space<vmem>> -> memref<128x128xf32, #tpu.memory_space<vmem>>
      %dma_start3A_265 = arith.constant 0 : i32
      %dma_start3A_266 = tpu.memref_slice %arg4[%mul3A_259, %dma_start3A_265] : memref<3276800x128xf32, #tpu.memory_space<hbm>> -> memref<128x128xf32, #tpu.memory_space<hbm>>
      %dma_start3A_267 = arith.constant 0 : i32
      %dma_start3A_268 = tpu.memref_slice %arg4[%mul3A_259, %dma_start3A_267] : memref<3276800x128xf32, #tpu.memory_space<hbm>> -> memref<128x128xf32, #tpu.memory_space<hbm>>
      %dma_start3A_269 = arith.constant 0 : i32
      %dma_start3A_270 = arith.constant 0 : i32
      %dma_start3A_271 = tpu.memref_slice %arg6[%dma_start3A_260, %dma_start3A_269, %dma_start3A_270] : memref<3x128x128xf32, #tpu.memory_space<vmem>> -> memref<1x128x128xf32, #tpu.memory_space<vmem>>
      %dma_start3A_272 = tpu.memref_squeeze %dma_start3A_271 : memref<1x128x128xf32, #tpu.memory_space<vmem>> -> memref<128x128xf32, #tpu.memory_space<vmem>>
      tpu.enqueue_dma source(%dma_start3A_272 : memref<128x128xf32, #tpu.memory_space<vmem>>) target(%dma_start3A_268 : memref<128x128xf32, #tpu.memory_space<hbm>>) target_semaphore(%arg14 : memref<!tpu.dma_semaphore, #tpu.memory_space<semaphore_mem>>)
      %add3A_273 = arith.constant 1 : i32
      %add3A_274 = arith.addi %mul3A_226, %add3A_273 : i32
      %add3A_275 = arith.constant 2 : i32
      %add3A_276 = arith.addi %add3A_274, %add3A_275 : i32
      %lt3A_277 = arith.constant 800 : i32
      %lt3A_278 = arith.cmpi slt, %add3A_276, %lt3A_277 : i32
      %convert_element_type3A_279 = arith.extui %lt3A_278 : i1 to i32
      %cond3A_280 = arith.constant 0 : i32
      %cond3A_281 = arith.cmpi ne, %convert_element_type3A_279, %cond3A_280 : i32
      scf.if %cond3A_281 {
        %add3A_368 = arith.constant 2 : i32
        %add3A_369 = arith.addi %add3A_274, %add3A_368 : i32
        %add3A_370 = arith.addi %mul3A_2, %add3A_369 : i32
        %dma_start3A_371 = arith.constant 0 : i32
        %dma_start3A_372 = arith.constant 0 : i32
        %dma_start3A_373 = arith.constant 0 : i32
        %dma_start3A_374 = tpu.memref_slice %arg5[%dma_start3A_371, %dma_start3A_372, %dma_start3A_373] : memref<3x1x128xi32, #tpu.memory_space<vmem>> -> memref<1x1x128xi32, #tpu.memory_space<vmem>>
        %dma_start3A_375 = tpu.memref_squeeze %dma_start3A_374 : memref<1x1x128xi32, #tpu.memory_space<vmem>> -> memref<1x128xi32, #tpu.memory_space<vmem>>
        %dma_start3A_376 = arith.constant 0 : i32
        %dma_start3A_377 = tpu.memref_slice %arg3[%add3A_370, %dma_start3A_376] : memref<25600x128xi32, #tpu.memory_space<hbm>> -> memref<1x128xi32, #tpu.memory_space<hbm>>
        %dma_start3A_378 = arith.constant 0 : i32
        %dma_start3A_379 = arith.constant 0 : i32
        %dma_start3A_380 = tpu.memref_slice %arg5[%dma_start3A_371, %dma_start3A_378, %dma_start3A_379] : memref<3x1x128xi32, #tpu.memory_space<vmem>> -> memref<1x1x128xi32, #tpu.memory_space<vmem>>
        %dma_start3A_381 = tpu.memref_squeeze %dma_start3A_380 : memref<1x1x128xi32, #tpu.memory_space<vmem>> -> memref<1x128xi32, #tpu.memory_space<vmem>>
        %dma_start3A_382 = arith.constant 0 : i32
        %dma_start3A_383 = tpu.memref_slice %arg3[%add3A_370, %dma_start3A_382] : memref<25600x128xi32, #tpu.memory_space<hbm>> -> memref<1x128xi32, #tpu.memory_space<hbm>>
        tpu.enqueue_dma source(%dma_start3A_383 : memref<1x128xi32, #tpu.memory_space<hbm>>) target(%dma_start3A_381 : memref<1x128xi32, #tpu.memory_space<vmem>>) target_semaphore(%arg8 : memref<!tpu.dma_semaphore, #tpu.memory_space<semaphore_mem>>)
      } else {
      }
      %add3A_282 = arith.constant 1 : i32
      %add3A_283 = arith.addi %add3A_274, %add3A_282 : i32
      %lt3A_284 = arith.constant 800 : i32
      %lt3A_285 = arith.cmpi slt, %add3A_283, %lt3A_284 : i32
      %convert_element_type3A_286 = arith.extui %lt3A_285 : i1 to i32
      %cond3A_287 = arith.constant 0 : i32
      %cond3A_288 = arith.cmpi ne, %convert_element_type3A_286, %cond3A_287 : i32
      scf.if %cond3A_288 {
        %ge3A = arith.constant 2 : i32
        %ge3A_368 = arith.cmpi sge, %add3A_274, %ge3A : i32
        %convert_element_type3A_369 = arith.extui %ge3A_368 : i1 to i32
        %cond3A_370 = arith.constant 0 : i32
        %cond3A_371 = arith.cmpi ne, %convert_element_type3A_369, %cond3A_370 : i32
        scf.if %cond3A_371 {
          %dma_wait3A_400 = arith.constant 2 : i32
          %dma_wait3A_401 = arith.constant 0 : i32
          %dma_wait3A_402 = arith.constant 0 : i32
          %dma_wait3A_403 = tpu.memref_slice %arg6[%dma_wait3A_400, %dma_wait3A_401, %dma_wait3A_402] : memref<3x128x128xf32, #tpu.memory_space<vmem>> -> memref<1x128x128xf32, #tpu.memory_space<vmem>>
          %dma_wait3A_404 = tpu.memref_squeeze %dma_wait3A_403 : memref<1x128x128xf32, #tpu.memory_space<vmem>> -> memref<128x128xf32, #tpu.memory_space<vmem>>
          %dma_wait3A_405 = arith.constant 0 : i32
          %dma_wait3A_406 = arith.constant 0 : i32
          %dma_wait3A_407 = tpu.memref_slice %arg4[%dma_wait3A_405, %dma_wait3A_406] : memref<3276800x128xf32, #tpu.memory_space<hbm>> -> memref<128x128xf32, #tpu.memory_space<hbm>>
          %dma_wait3A_408 = arith.constant 0 : i32
          %dma_wait3A_409 = arith.constant 0 : i32
          %dma_wait3A_410 = tpu.memref_slice %arg4[%dma_wait3A_408, %dma_wait3A_409] : memref<3276800x128xf32, #tpu.memory_space<hbm>> -> memref<128x128xf32, #tpu.memory_space<hbm>>
          %dma_wait3A_411 = arith.constant 0 : i32
          %dma_wait3A_412 = arith.constant 0 : i32
          %dma_wait3A_413 = tpu.memref_slice %arg6[%dma_wait3A_400, %dma_wait3A_411, %dma_wait3A_412] : memref<3x128x128xf32, #tpu.memory_space<vmem>> -> memref<1x128x128xf32, #tpu.memory_space<vmem>>
          %dma_wait3A_414 = tpu.memref_squeeze %dma_wait3A_413 : memref<1x128x128xf32, #tpu.memory_space<vmem>> -> memref<128x128xf32, #tpu.memory_space<vmem>>
          tpu.wait_dma2 semaphore(%arg16 : memref<!tpu.dma_semaphore, #tpu.memory_space<semaphore_mem>>) src(%dma_wait3A_414 : memref<128x128xf32, #tpu.memory_space<vmem>>) dst(%dma_wait3A_410 : memref<128x128xf32, #tpu.memory_space<hbm>>)
        } else {
        }
        %dma_wait3A_372 = arith.constant 2 : i32
        %dma_wait3A_373 = arith.constant 0 : i32
        %dma_wait3A_374 = arith.constant 0 : i32
        %dma_wait3A_375 = tpu.memref_slice %arg5[%dma_wait3A_372, %dma_wait3A_373, %dma_wait3A_374] : memref<3x1x128xi32, #tpu.memory_space<vmem>> -> memref<1x1x128xi32, #tpu.memory_space<vmem>>
        %dma_wait3A_376 = tpu.memref_squeeze %dma_wait3A_375 : memref<1x1x128xi32, #tpu.memory_space<vmem>> -> memref<1x128xi32, #tpu.memory_space<vmem>>
        %dma_wait3A_377 = arith.constant 0 : i32
        %dma_wait3A_378 = arith.constant 0 : i32
        %dma_wait3A_379 = tpu.memref_slice %arg3[%dma_wait3A_377, %dma_wait3A_378] : memref<25600x128xi32, #tpu.memory_space<hbm>> -> memref<1x128xi32, #tpu.memory_space<hbm>>
        %dma_wait3A_380 = arith.constant 0 : i32
        %dma_wait3A_381 = arith.constant 0 : i32
        %dma_wait3A_382 = tpu.memref_slice %arg5[%dma_wait3A_372, %dma_wait3A_380, %dma_wait3A_381] : memref<3x1x128xi32, #tpu.memory_space<vmem>> -> memref<1x1x128xi32, #tpu.memory_space<vmem>>
        %dma_wait3A_383 = tpu.memref_squeeze %dma_wait3A_382 : memref<1x1x128xi32, #tpu.memory_space<vmem>> -> memref<1x128xi32, #tpu.memory_space<vmem>>
        %dma_wait3A_384 = arith.constant 0 : i32
        %dma_wait3A_385 = arith.constant 0 : i32
        %dma_wait3A_386 = tpu.memref_slice %arg3[%dma_wait3A_384, %dma_wait3A_385] : memref<25600x128xi32, #tpu.memory_space<hbm>> -> memref<1x128xi32, #tpu.memory_space<hbm>>
        tpu.wait_dma2 semaphore(%arg10 : memref<!tpu.dma_semaphore, #tpu.memory_space<semaphore_mem>>) src(%dma_wait3A_386 : memref<1x128xi32, #tpu.memory_space<hbm>>) dst(%dma_wait3A_383 : memref<1x128xi32, #tpu.memory_space<vmem>>)
        %dma_start3A_387 = arith.constant 2 : i32
        %dma_start3A_388 = arith.constant 0 : i32
        %dma_start3A_389 = arith.constant 2 : i32
        %dma_start3A_390 = arith.constant 0 : i32
        %dma_start3A_391 = arith.constant 0 : i32
        %dma_start3A_392 = tpu.memref_slice %arg6[%dma_start3A_389, %dma_start3A_390, %dma_start3A_391] : memref<3x128x128xf32, #tpu.memory_space<vmem>> -> memref<1x128x128xf32, #tpu.memory_space<vmem>>
        %dma_start3A_393 = tpu.memref_squeeze %dma_start3A_392 : memref<1x128x128xf32, #tpu.memory_space<vmem>> -> memref<128x128xf32, #tpu.memory_space<vmem>>
        %dma_start3A_394 = arith.constant 0 : i32
        %dma_start3A_395 = tpu.memref_slice %arg5[%dma_start3A_387, %dma_start3A_388, %dma_start3A_394] : memref<3x1x128xi32, #tpu.memory_space<vmem>> -> memref<1x1x128xi32, #tpu.memory_space<vmem>>
        %dma_start3A_396 = tpu.memref_squeeze %dma_start3A_395 : memref<1x1x128xi32, #tpu.memory_space<vmem>> -> memref<128xi32, #tpu.memory_space<vmem>>
        %dma_start3A_397 = arith.constant 0 : i32
        %dma_start3A_398 = arith.constant 0 : i32
        %dma_start3A_399 = tpu.memref_slice %arg7[%dma_start3A_397, %dma_start3A_398] : memref<10000x128xf32, #tpu.memory_space<vmem_shared>> -> memref<10000x128xf32, #tpu.memory_space<vmem_shared>>
        tpu.enqueue_indirect_dma source(%dma_start3A_399 : memref<10000x128xf32, #tpu.memory_space<vmem_shared>>) target(%dma_start3A_393 : memref<128x128xf32, #tpu.memory_space<vmem>>) offsets(%dma_start3A_396 : memref<128xi32, #tpu.memory_space<vmem>>) semaphore(%arg13 : memref<!tpu.dma_semaphore, #tpu.memory_space<semaphore_mem>>)
      } else {
      }
      %dma_wait3A_289 = arith.constant 1 : i32
      %dma_wait3A_290 = arith.constant 0 : i32
      %dma_wait3A_291 = arith.constant 0 : i32
      %dma_wait3A_292 = tpu.memref_slice %arg6[%dma_wait3A_289, %dma_wait3A_290, %dma_wait3A_291] : memref<3x128x128xf32, #tpu.memory_space<vmem>> -> memref<1x128x128xf32, #tpu.memory_space<vmem>>
      %dma_wait3A_293 = tpu.memref_squeeze %dma_wait3A_292 : memref<1x128x128xf32, #tpu.memory_space<vmem>> -> memref<128x128xf32, #tpu.memory_space<vmem>>
      %dma_wait3A_294 = arith.constant 0 : i32
      %dma_wait3A_295 = arith.constant 0 : i32
      %dma_wait3A_296 = tpu.memref_slice %arg2[%dma_wait3A_294, %dma_wait3A_295] : memref<10000x128xf32, #tpu.memory_space<hbm>> -> memref<128x128xf32, #tpu.memory_space<hbm>>
      %dma_wait3A_297 = arith.constant 0 : i32
      %dma_wait3A_298 = arith.constant 0 : i32
      %dma_wait3A_299 = tpu.memref_slice %arg6[%dma_wait3A_289, %dma_wait3A_297, %dma_wait3A_298] : memref<3x128x128xf32, #tpu.memory_space<vmem>> -> memref<1x128x128xf32, #tpu.memory_space<vmem>>
      %dma_wait3A_300 = tpu.memref_squeeze %dma_wait3A_299 : memref<1x128x128xf32, #tpu.memory_space<vmem>> -> memref<128x128xf32, #tpu.memory_space<vmem>>
      %dma_wait3A_301 = arith.constant 0 : i32
      %dma_wait3A_302 = arith.constant 0 : i32
      %dma_wait3A_303 = tpu.memref_slice %arg2[%dma_wait3A_301, %dma_wait3A_302] : memref<10000x128xf32, #tpu.memory_space<hbm>> -> memref<128x128xf32, #tpu.memory_space<hbm>>
      tpu.wait_dma2 semaphore(%arg12 : memref<!tpu.dma_semaphore, #tpu.memory_space<semaphore_mem>>) src(%dma_wait3A_303 : memref<128x128xf32, #tpu.memory_space<hbm>>) dst(%dma_wait3A_300 : memref<128x128xf32, #tpu.memory_space<vmem>>)
      %add3A_304 = arith.addi %mul3A_2, %add3A_274 : i32
      %mul3A_305 = arith.constant 128 : i32
      %mul3A_306 = arith.muli %add3A_304, %mul3A_305 : i32
      %dma_start3A_307 = arith.constant 1 : i32
      %dma_start3A_308 = arith.constant 0 : i32
      %dma_start3A_309 = arith.constant 0 : i32
      %dma_start3A_310 = tpu.memref_slice %arg6[%dma_start3A_307, %dma_start3A_308, %dma_start3A_309] : memref<3x128x128xf32, #tpu.memory_space<vmem>> -> memref<1x128x128xf32, #tpu.memory_space<vmem>>
      %dma_start3A_311 = tpu.memref_squeeze %dma_start3A_310 : memref<1x128x128xf32, #tpu.memory_space<vmem>> -> memref<128x128xf32, #tpu.memory_space<vmem>>
      %dma_start3A_312 = arith.constant 0 : i32
      %dma_start3A_313 = tpu.memref_slice %arg4[%mul3A_306, %dma_start3A_312] : memref<3276800x128xf32, #tpu.memory_space<hbm>> -> memref<128x128xf32, #tpu.memory_space<hbm>>
      %dma_start3A_314 = arith.constant 0 : i32
      %dma_start3A_315 = tpu.memref_slice %arg4[%mul3A_306, %dma_start3A_314] : memref<3276800x128xf32, #tpu.memory_space<hbm>> -> memref<128x128xf32, #tpu.memory_space<hbm>>
      %dma_start3A_316 = arith.constant 0 : i32
      %dma_start3A_317 = arith.constant 0 : i32
      %dma_start3A_318 = tpu.memref_slice %arg6[%dma_start3A_307, %dma_start3A_316, %dma_start3A_317] : memref<3x128x128xf32, #tpu.memory_space<vmem>> -> memref<1x128x128xf32, #tpu.memory_space<vmem>>
      %dma_start3A_319 = tpu.memref_squeeze %dma_start3A_318 : memref<1x128x128xf32, #tpu.memory_space<vmem>> -> memref<128x128xf32, #tpu.memory_space<vmem>>
      tpu.enqueue_dma source(%dma_start3A_319 : memref<128x128xf32, #tpu.memory_space<vmem>>) target(%dma_start3A_315 : memref<128x128xf32, #tpu.memory_space<hbm>>) target_semaphore(%arg15 : memref<!tpu.dma_semaphore, #tpu.memory_space<semaphore_mem>>)
      %add3A_320 = arith.constant 2 : i32
      %add3A_321 = arith.addi %mul3A_226, %add3A_320 : i32
      %add3A_322 = arith.constant 2 : i32
      %add3A_323 = arith.addi %add3A_321, %add3A_322 : i32
      %lt3A_324 = arith.constant 800 : i32
      %lt3A_325 = arith.cmpi slt, %add3A_323, %lt3A_324 : i32
      %convert_element_type3A_326 = arith.extui %lt3A_325 : i1 to i32
      %cond3A_327 = arith.constant 0 : i32
      %cond3A_328 = arith.cmpi ne, %convert_element_type3A_326, %cond3A_327 : i32
      scf.if %cond3A_328 {
        %add3A_368 = arith.constant 2 : i32
        %add3A_369 = arith.addi %add3A_321, %add3A_368 : i32
        %add3A_370 = arith.addi %mul3A_2, %add3A_369 : i32
        %dma_start3A_371 = arith.constant 1 : i32
        %dma_start3A_372 = arith.constant 0 : i32
        %dma_start3A_373 = arith.constant 0 : i32
        %dma_start3A_374 = tpu.memref_slice %arg5[%dma_start3A_371, %dma_start3A_372, %dma_start3A_373] : memref<3x1x128xi32, #tpu.memory_space<vmem>> -> memref<1x1x128xi32, #tpu.memory_space<vmem>>
        %dma_start3A_375 = tpu.memref_squeeze %dma_start3A_374 : memref<1x1x128xi32, #tpu.memory_space<vmem>> -> memref<1x128xi32, #tpu.memory_space<vmem>>
        %dma_start3A_376 = arith.constant 0 : i32
        %dma_start3A_377 = tpu.memref_slice %arg3[%add3A_370, %dma_start3A_376] : memref<25600x128xi32, #tpu.memory_space<hbm>> -> memref<1x128xi32, #tpu.memory_space<hbm>>
        %dma_start3A_378 = arith.constant 0 : i32
        %dma_start3A_379 = arith.constant 0 : i32
        %dma_start3A_380 = tpu.memref_slice %arg5[%dma_start3A_371, %dma_start3A_378, %dma_start3A_379] : memref<3x1x128xi32, #tpu.memory_space<vmem>> -> memref<1x1x128xi32, #tpu.memory_space<vmem>>
        %dma_start3A_381 = tpu.memref_squeeze %dma_start3A_380 : memref<1x1x128xi32, #tpu.memory_space<vmem>> -> memref<1x128xi32, #tpu.memory_space<vmem>>
        %dma_start3A_382 = arith.constant 0 : i32
        %dma_start3A_383 = tpu.memref_slice %arg3[%add3A_370, %dma_start3A_382] : memref<25600x128xi32, #tpu.memory_space<hbm>> -> memref<1x128xi32, #tpu.memory_space<hbm>>
        tpu.enqueue_dma source(%dma_start3A_383 : memref<1x128xi32, #tpu.memory_space<hbm>>) target(%dma_start3A_381 : memref<1x128xi32, #tpu.memory_space<vmem>>) target_semaphore(%arg9 : memref<!tpu.dma_semaphore, #tpu.memory_space<semaphore_mem>>)
      } else {
      }
      %add3A_329 = arith.constant 1 : i32
      %add3A_330 = arith.addi %add3A_321, %add3A_329 : i32
      %lt3A_331 = arith.constant 800 : i32
      %lt3A_332 = arith.cmpi slt, %add3A_330, %lt3A_331 : i32
      %convert_element_type3A_333 = arith.extui %lt3A_332 : i1 to i32
      %cond3A_334 = arith.constant 0 : i32
      %cond3A_335 = arith.cmpi ne, %convert_element_type3A_333, %cond3A_334 : i32
      scf.if %cond3A_335 {
        %ge3A = arith.constant 2 : i32
        %ge3A_368 = arith.cmpi sge, %add3A_321, %ge3A : i32
        %convert_element_type3A_369 = arith.extui %ge3A_368 : i1 to i32
        %cond3A_370 = arith.constant 0 : i32
        %cond3A_371 = arith.cmpi ne, %convert_element_type3A_369, %cond3A_370 : i32
        scf.if %cond3A_371 {
          %dma_wait3A_400 = arith.constant 0 : i32
          %dma_wait3A_401 = arith.constant 0 : i32
          %dma_wait3A_402 = arith.constant 0 : i32
          %dma_wait3A_403 = tpu.memref_slice %arg6[%dma_wait3A_400, %dma_wait3A_401, %dma_wait3A_402] : memref<3x128x128xf32, #tpu.memory_space<vmem>> -> memref<1x128x128xf32, #tpu.memory_space<vmem>>
          %dma_wait3A_404 = tpu.memref_squeeze %dma_wait3A_403 : memref<1x128x128xf32, #tpu.memory_space<vmem>> -> memref<128x128xf32, #tpu.memory_space<vmem>>
          %dma_wait3A_405 = arith.constant 0 : i32
          %dma_wait3A_406 = arith.constant 0 : i32
          %dma_wait3A_407 = tpu.memref_slice %arg4[%dma_wait3A_405, %dma_wait3A_406] : memref<3276800x128xf32, #tpu.memory_space<hbm>> -> memref<128x128xf32, #tpu.memory_space<hbm>>
          %dma_wait3A_408 = arith.constant 0 : i32
          %dma_wait3A_409 = arith.constant 0 : i32
          %dma_wait3A_410 = tpu.memref_slice %arg4[%dma_wait3A_408, %dma_wait3A_409] : memref<3276800x128xf32, #tpu.memory_space<hbm>> -> memref<128x128xf32, #tpu.memory_space<hbm>>
          %dma_wait3A_411 = arith.constant 0 : i32
          %dma_wait3A_412 = arith.constant 0 : i32
          %dma_wait3A_413 = tpu.memref_slice %arg6[%dma_wait3A_400, %dma_wait3A_411, %dma_wait3A_412] : memref<3x128x128xf32, #tpu.memory_space<vmem>> -> memref<1x128x128xf32, #tpu.memory_space<vmem>>
          %dma_wait3A_414 = tpu.memref_squeeze %dma_wait3A_413 : memref<1x128x128xf32, #tpu.memory_space<vmem>> -> memref<128x128xf32, #tpu.memory_space<vmem>>
          tpu.wait_dma2 semaphore(%arg14 : memref<!tpu.dma_semaphore, #tpu.memory_space<semaphore_mem>>) src(%dma_wait3A_414 : memref<128x128xf32, #tpu.memory_space<vmem>>) dst(%dma_wait3A_410 : memref<128x128xf32, #tpu.memory_space<hbm>>)
        } else {
        }
        %dma_wait3A_372 = arith.constant 0 : i32
        %dma_wait3A_373 = arith.constant 0 : i32
        %dma_wait3A_374 = arith.constant 0 : i32
        %dma_wait3A_375 = tpu.memref_slice %arg5[%dma_wait3A_372, %dma_wait3A_373, %dma_wait3A_374] : memref<3x1x128xi32, #tpu.memory_space<vmem>> -> memref<1x1x128xi32, #tpu.memory_space<vmem>>
        %dma_wait3A_376 = tpu.memref_squeeze %dma_wait3A_375 : memref<1x1x128xi32, #tpu.memory_space<vmem>> -> memref<1x128xi32, #tpu.memory_space<vmem>>
        %dma_wait3A_377 = arith.constant 0 : i32
        %dma_wait3A_378 = arith.constant 0 : i32
        %dma_wait3A_379 = tpu.memref_slice %arg3[%dma_wait3A_377, %dma_wait3A_378] : memref<25600x128xi32, #tpu.memory_space<hbm>> -> memref<1x128xi32, #tpu.memory_space<hbm>>
        %dma_wait3A_380 = arith.constant 0 : i32
        %dma_wait3A_381 = arith.constant 0 : i32
        %dma_wait3A_382 = tpu.memref_slice %arg5[%dma_wait3A_372, %dma_wait3A_380, %dma_wait3A_381] : memref<3x1x128xi32, #tpu.memory_space<vmem>> -> memref<1x1x128xi32, #tpu.memory_space<vmem>>
        %dma_wait3A_383 = tpu.memref_squeeze %dma_wait3A_382 : memref<1x1x128xi32, #tpu.memory_space<vmem>> -> memref<1x128xi32, #tpu.memory_space<vmem>>
        %dma_wait3A_384 = arith.constant 0 : i32
        %dma_wait3A_385 = arith.constant 0 : i32
        %dma_wait3A_386 = tpu.memref_slice %arg3[%dma_wait3A_384, %dma_wait3A_385] : memref<25600x128xi32, #tpu.memory_space<hbm>> -> memref<1x128xi32, #tpu.memory_space<hbm>>
        tpu.wait_dma2 semaphore(%arg8 : memref<!tpu.dma_semaphore, #tpu.memory_space<semaphore_mem>>) src(%dma_wait3A_386 : memref<1x128xi32, #tpu.memory_space<hbm>>) dst(%dma_wait3A_383 : memref<1x128xi32, #tpu.memory_space<vmem>>)
        %dma_start3A_387 = arith.constant 0 : i32
        %dma_start3A_388 = arith.constant 0 : i32
        %dma_start3A_389 = arith.constant 0 : i32
        %dma_start3A_390 = arith.constant 0 : i32
        %dma_start3A_391 = arith.constant 0 : i32
        %dma_start3A_392 = tpu.memref_slice %arg6[%dma_start3A_389, %dma_start3A_390, %dma_start3A_391] : memref<3x128x128xf32, #tpu.memory_space<vmem>> -> memref<1x128x128xf32, #tpu.memory_space<vmem>>
        %dma_start3A_393 = tpu.memref_squeeze %dma_start3A_392 : memref<1x128x128xf32, #tpu.memory_space<vmem>> -> memref<128x128xf32, #tpu.memory_space<vmem>>
        %dma_start3A_394 = arith.constant 0 : i32
        %dma_start3A_395 = tpu.memref_slice %arg5[%dma_start3A_387, %dma_start3A_388, %dma_start3A_394] : memref<3x1x128xi32, #tpu.memory_space<vmem>> -> memref<1x1x128xi32, #tpu.memory_space<vmem>>
        %dma_start3A_396 = tpu.memref_squeeze %dma_start3A_395 : memref<1x1x128xi32, #tpu.memory_space<vmem>> -> memref<128xi32, #tpu.memory_space<vmem>>
        %dma_start3A_397 = arith.constant 0 : i32
        %dma_start3A_398 = arith.constant 0 : i32
        %dma_start3A_399 = tpu.memref_slice %arg7[%dma_start3A_397, %dma_start3A_398] : memref<10000x128xf32, #tpu.memory_space<vmem_shared>> -> memref<10000x128xf32, #tpu.memory_space<vmem_shared>>
        tpu.enqueue_indirect_dma source(%dma_start3A_399 : memref<10000x128xf32, #tpu.memory_space<vmem_shared>>) target(%dma_start3A_393 : memref<128x128xf32, #tpu.memory_space<vmem>>) offsets(%dma_start3A_396 : memref<128xi32, #tpu.memory_space<vmem>>) semaphore(%arg11 : memref<!tpu.dma_semaphore, #tpu.memory_space<semaphore_mem>>)
      } else {
      }
      %dma_wait3A_336 = arith.constant 2 : i32
      %dma_wait3A_337 = arith.constant 0 : i32
      %dma_wait3A_338 = arith.constant 0 : i32
      %dma_wait3A_339 = tpu.memref_slice %arg6[%dma_wait3A_336, %dma_wait3A_337, %dma_wait3A_338] : memref<3x128x128xf32, #tpu.memory_space<vmem>> -> memref<1x128x128xf32, #tpu.memory_space<vmem>>
      %dma_wait3A_340 = tpu.memref_squeeze %dma_wait3A_339 : memref<1x128x128xf32, #tpu.memory_space<vmem>> -> memref<128x128xf32, #tpu.memory_space<vmem>>
      %dma_wait3A_341 = arith.constant 0 : i32
      %dma_wait3A_342 = arith.constant 0 : i32
      %dma_wait3A_343 = tpu.memref_slice %arg2[%dma_wait3A_341, %dma_wait3A_342] : memref<10000x128xf32, #tpu.memory_space<hbm>> -> memref<128x128xf32, #tpu.memory_space<hbm>>
      %dma_wait3A_344 = arith.constant 0 : i32
      %dma_wait3A_345 = arith.constant 0 : i32
      %dma_wait3A_346 = tpu.memref_slice %arg6[%dma_wait3A_336, %dma_wait3A_344, %dma_wait3A_345] : memref<3x128x128xf32, #tpu.memory_space<vmem>> -> memref<1x128x128xf32, #tpu.memory_space<vmem>>
      %dma_wait3A_347 = tpu.memref_squeeze %dma_wait3A_346 : memref<1x128x128xf32, #tpu.memory_space<vmem>> -> memref<128x128xf32, #tpu.memory_space<vmem>>
      %dma_wait3A_348 = arith.constant 0 : i32
      %dma_wait3A_349 = arith.constant 0 : i32
      %dma_wait3A_350 = tpu.memref_slice %arg2[%dma_wait3A_348, %dma_wait3A_349] : memref<10000x128xf32, #tpu.memory_space<hbm>> -> memref<128x128xf32, #tpu.memory_space<hbm>>
      tpu.wait_dma2 semaphore(%arg13 : memref<!tpu.dma_semaphore, #tpu.memory_space<semaphore_mem>>) src(%dma_wait3A_350 : memref<128x128xf32, #tpu.memory_space<hbm>>) dst(%dma_wait3A_347 : memref<128x128xf32, #tpu.memory_space<vmem>>)
      %add3A_351 = arith.addi %mul3A_2, %add3A_321 : i32
      %mul3A_352 = arith.constant 128 : i32
      %mul3A_353 = arith.muli %add3A_351, %mul3A_352 : i32
      %dma_start3A_354 = arith.constant 2 : i32
      %dma_start3A_355 = arith.constant 0 : i32
      %dma_start3A_356 = arith.constant 0 : i32
      %dma_start3A_357 = tpu.memref_slice %arg6[%dma_start3A_354, %dma_start3A_355, %dma_start3A_356] : memref<3x128x128xf32, #tpu.memory_space<vmem>> -> memref<1x128x128xf32, #tpu.memory_space<vmem>>
      %dma_start3A_358 = tpu.memref_squeeze %dma_start3A_357 : memref<1x128x128xf32, #tpu.memory_space<vmem>> -> memref<128x128xf32, #tpu.memory_space<vmem>>
      %dma_start3A_359 = arith.constant 0 : i32
      %dma_start3A_360 = tpu.memref_slice %arg4[%mul3A_353, %dma_start3A_359] : memref<3276800x128xf32, #tpu.memory_space<hbm>> -> memref<128x128xf32, #tpu.memory_space<hbm>>
      %dma_start3A_361 = arith.constant 0 : i32
      %dma_start3A_362 = tpu.memref_slice %arg4[%mul3A_353, %dma_start3A_361] : memref<3276800x128xf32, #tpu.memory_space<hbm>> -> memref<128x128xf32, #tpu.memory_space<hbm>>
      %dma_start3A_363 = arith.constant 0 : i32
      %dma_start3A_364 = arith.constant 0 : i32
      %dma_start3A_365 = tpu.memref_slice %arg6[%dma_start3A_354, %dma_start3A_363, %dma_start3A_364] : memref<3x128x128xf32, #tpu.memory_space<vmem>> -> memref<1x128x128xf32, #tpu.memory_space<vmem>>
      %dma_start3A_366 = tpu.memref_squeeze %dma_start3A_365 : memref<1x128x128xf32, #tpu.memory_space<vmem>> -> memref<128x128xf32, #tpu.memory_space<vmem>>
      tpu.enqueue_dma source(%dma_start3A_366 : memref<128x128xf32, #tpu.memory_space<vmem>>) target(%dma_start3A_362 : memref<128x128xf32, #tpu.memory_space<hbm>>) target_semaphore(%arg16 : memref<!tpu.dma_semaphore, #tpu.memory_space<semaphore_mem>>)
      %scan3A_367 = arith.constant 0 : i32
      scf.yield %scan3A_367 : i32
    }
    %scan3A_70 = arith.constant 266 : i32
    %dma_wait3A_71 = arith.constant 1 : i32
    %dma_wait3A_72 = arith.constant 0 : i32
    %dma_wait3A_73 = arith.constant 0 : i32
    %dma_wait3A_74 = tpu.memref_slice %arg6[%dma_wait3A_71, %dma_wait3A_72, %dma_wait3A_73] : memref<3x128x128xf32, #tpu.memory_space<vmem>> -> memref<1x128x128xf32, #tpu.memory_space<vmem>>
    %dma_wait3A_75 = tpu.memref_squeeze %dma_wait3A_74 : memref<1x128x128xf32, #tpu.memory_space<vmem>> -> memref<128x128xf32, #tpu.memory_space<vmem>>
    %dma_wait3A_76 = arith.constant 0 : i32
    %dma_wait3A_77 = arith.constant 0 : i32
    %dma_wait3A_78 = tpu.memref_slice %arg4[%dma_wait3A_76, %dma_wait3A_77] : memref<3276800x128xf32, #tpu.memory_space<hbm>> -> memref<128x128xf32, #tpu.memory_space<hbm>>
    %dma_wait3A_79 = arith.constant 0 : i32
    %dma_wait3A_80 = arith.constant 0 : i32
    %dma_wait3A_81 = tpu.memref_slice %arg4[%dma_wait3A_79, %dma_wait3A_80] : memref<3276800x128xf32, #tpu.memory_space<hbm>> -> memref<128x128xf32, #tpu.memory_space<hbm>>
    %dma_wait3A_82 = arith.constant 0 : i32
    %dma_wait3A_83 = arith.constant 0 : i32
    %dma_wait3A_84 = tpu.memref_slice %arg6[%dma_wait3A_71, %dma_wait3A_82, %dma_wait3A_83] : memref<3x128x128xf32, #tpu.memory_space<vmem>> -> memref<1x128x128xf32, #tpu.memory_space<vmem>>
    %dma_wait3A_85 = tpu.memref_squeeze %dma_wait3A_84 : memref<1x128x128xf32, #tpu.memory_space<vmem>> -> memref<128x128xf32, #tpu.memory_space<vmem>>
    tpu.wait_dma2 semaphore(%arg15 : memref<!tpu.dma_semaphore, #tpu.memory_space<semaphore_mem>>) src(%dma_wait3A_85 : memref<128x128xf32, #tpu.memory_space<vmem>>) dst(%dma_wait3A_81 : memref<128x128xf32, #tpu.memory_space<hbm>>)
    %dma_wait3A_86 = arith.constant 1 : i32
    %dma_wait3A_87 = arith.constant 0 : i32
    %dma_wait3A_88 = arith.constant 0 : i32
    %dma_wait3A_89 = tpu.memref_slice %arg5[%dma_wait3A_86, %dma_wait3A_87, %dma_wait3A_88] : memref<3x1x128xi32, #tpu.memory_space<vmem>> -> memref<1x1x128xi32, #tpu.memory_space<vmem>>
    %dma_wait3A_90 = tpu.memref_squeeze %dma_wait3A_89 : memref<1x1x128xi32, #tpu.memory_space<vmem>> -> memref<1x128xi32, #tpu.memory_space<vmem>>
    %dma_wait3A_91 = arith.constant 0 : i32
    %dma_wait3A_92 = arith.constant 0 : i32
    %dma_wait3A_93 = tpu.memref_slice %arg3[%dma_wait3A_91, %dma_wait3A_92] : memref<25600x128xi32, #tpu.memory_space<hbm>> -> memref<1x128xi32, #tpu.memory_space<hbm>>
    %dma_wait3A_94 = arith.constant 0 : i32
    %dma_wait3A_95 = arith.constant 0 : i32
    %dma_wait3A_96 = tpu.memref_slice %arg5[%dma_wait3A_86, %dma_wait3A_94, %dma_wait3A_95] : memref<3x1x128xi32, #tpu.memory_space<vmem>> -> memref<1x1x128xi32, #tpu.memory_space<vmem>>
    %dma_wait3A_97 = tpu.memref_squeeze %dma_wait3A_96 : memref<1x1x128xi32, #tpu.memory_space<vmem>> -> memref<1x128xi32, #tpu.memory_space<vmem>>
    %dma_wait3A_98 = arith.constant 0 : i32
    %dma_wait3A_99 = arith.constant 0 : i32
    %dma_wait3A_100 = tpu.memref_slice %arg3[%dma_wait3A_98, %dma_wait3A_99] : memref<25600x128xi32, #tpu.memory_space<hbm>> -> memref<1x128xi32, #tpu.memory_space<hbm>>
    tpu.wait_dma2 semaphore(%arg9 : memref<!tpu.dma_semaphore, #tpu.memory_space<semaphore_mem>>) src(%dma_wait3A_100 : memref<1x128xi32, #tpu.memory_space<hbm>>) dst(%dma_wait3A_97 : memref<1x128xi32, #tpu.memory_space<vmem>>)
    %dma_start3A_101 = arith.constant 1 : i32
    %dma_start3A_102 = arith.constant 0 : i32
    %dma_start3A_103 = arith.constant 1 : i32
    %dma_start3A_104 = arith.constant 0 : i32
    %dma_start3A_105 = arith.constant 0 : i32
    %dma_start3A_106 = tpu.memref_slice %arg6[%dma_start3A_103, %dma_start3A_104, %dma_start3A_105] : memref<3x128x128xf32, #tpu.memory_space<vmem>> -> memref<1x128x128xf32, #tpu.memory_space<vmem>>
    %dma_start3A_107 = tpu.memref_squeeze %dma_start3A_106 : memref<1x128x128xf32, #tpu.memory_space<vmem>> -> memref<128x128xf32, #tpu.memory_space<vmem>>
    %dma_start3A_108 = arith.constant 0 : i32
    %dma_start3A_109 = tpu.memref_slice %arg5[%dma_start3A_101, %dma_start3A_102, %dma_start3A_108] : memref<3x1x128xi32, #tpu.memory_space<vmem>> -> memref<1x1x128xi32, #tpu.memory_space<vmem>>
    %dma_start3A_110 = tpu.memref_squeeze %dma_start3A_109 : memref<1x1x128xi32, #tpu.memory_space<vmem>> -> memref<128xi32, #tpu.memory_space<vmem>>
    %dma_start3A_111 = arith.constant 0 : i32
    %dma_start3A_112 = arith.constant 0 : i32
    %dma_start3A_113 = tpu.memref_slice %arg7[%dma_start3A_111, %dma_start3A_112] : memref<10000x128xf32, #tpu.memory_space<vmem_shared>> -> memref<10000x128xf32, #tpu.memory_space<vmem_shared>>
    tpu.enqueue_indirect_dma source(%dma_start3A_113 : memref<10000x128xf32, #tpu.memory_space<vmem_shared>>) target(%dma_start3A_107 : memref<128x128xf32, #tpu.memory_space<vmem>>) offsets(%dma_start3A_110 : memref<128xi32, #tpu.memory_space<vmem>>) semaphore(%arg12 : memref<!tpu.dma_semaphore, #tpu.memory_space<semaphore_mem>>)
    %dma_wait3A_114 = arith.constant 0 : i32
    %dma_wait3A_115 = arith.constant 0 : i32
    %dma_wait3A_116 = arith.constant 0 : i32
    %dma_wait3A_117 = tpu.memref_slice %arg6[%dma_wait3A_114, %dma_wait3A_115, %dma_wait3A_116] : memref<3x128x128xf32, #tpu.memory_space<vmem>> -> memref<1x128x128xf32, #tpu.memory_space<vmem>>
    %dma_wait3A_118 = tpu.memref_squeeze %dma_wait3A_117 : memref<1x128x128xf32, #tpu.memory_space<vmem>> -> memref<128x128xf32, #tpu.memory_space<vmem>>
    %dma_wait3A_119 = arith.constant 0 : i32
    %dma_wait3A_120 = arith.constant 0 : i32
    %dma_wait3A_121 = tpu.memref_slice %arg2[%dma_wait3A_119, %dma_wait3A_120] : memref<10000x128xf32, #tpu.memory_space<hbm>> -> memref<128x128xf32, #tpu.memory_space<hbm>>
    %dma_wait3A_122 = arith.constant 0 : i32
    %dma_wait3A_123 = arith.constant 0 : i32
    %dma_wait3A_124 = tpu.memref_slice %arg6[%dma_wait3A_114, %dma_wait3A_122, %dma_wait3A_123] : memref<3x128x128xf32, #tpu.memory_space<vmem>> -> memref<1x128x128xf32, #tpu.memory_space<vmem>>
    %dma_wait3A_125 = tpu.memref_squeeze %dma_wait3A_124 : memref<1x128x128xf32, #tpu.memory_space<vmem>> -> memref<128x128xf32, #tpu.memory_space<vmem>>
    %dma_wait3A_126 = arith.constant 0 : i32
    %dma_wait3A_127 = arith.constant 0 : i32
    %dma_wait3A_128 = tpu.memref_slice %arg2[%dma_wait3A_126, %dma_wait3A_127] : memref<10000x128xf32, #tpu.memory_space<hbm>> -> memref<128x128xf32, #tpu.memory_space<hbm>>
    tpu.wait_dma2 semaphore(%arg11 : memref<!tpu.dma_semaphore, #tpu.memory_space<semaphore_mem>>) src(%dma_wait3A_128 : memref<128x128xf32, #tpu.memory_space<hbm>>) dst(%dma_wait3A_125 : memref<128x128xf32, #tpu.memory_space<vmem>>)
    %add3A_129 = arith.constant 798 : i32
    %add3A_130 = arith.addi %mul3A_2, %add3A_129 : i32
    %mul3A_131 = arith.constant 128 : i32
    %mul3A_132 = arith.muli %add3A_130, %mul3A_131 : i32
    %dma_start3A_133 = arith.constant 0 : i32
    %dma_start3A_134 = arith.constant 0 : i32
    %dma_start3A_135 = arith.constant 0 : i32
    %dma_start3A_136 = tpu.memref_slice %arg6[%dma_start3A_133, %dma_start3A_134, %dma_start3A_135] : memref<3x128x128xf32, #tpu.memory_space<vmem>> -> memref<1x128x128xf32, #tpu.memory_space<vmem>>
    %dma_start3A_137 = tpu.memref_squeeze %dma_start3A_136 : memref<1x128x128xf32, #tpu.memory_space<vmem>> -> memref<128x128xf32, #tpu.memory_space<vmem>>
    %dma_start3A_138 = arith.constant 0 : i32
    %dma_start3A_139 = tpu.memref_slice %arg4[%mul3A_132, %dma_start3A_138] : memref<3276800x128xf32, #tpu.memory_space<hbm>> -> memref<128x128xf32, #tpu.memory_space<hbm>>
    %dma_start3A_140 = arith.constant 0 : i32
    %dma_start3A_141 = tpu.memref_slice %arg4[%mul3A_132, %dma_start3A_140] : memref<3276800x128xf32, #tpu.memory_space<hbm>> -> memref<128x128xf32, #tpu.memory_space<hbm>>
    %dma_start3A_142 = arith.constant 0 : i32
    %dma_start3A_143 = arith.constant 0 : i32
    %dma_start3A_144 = tpu.memref_slice %arg6[%dma_start3A_133, %dma_start3A_142, %dma_start3A_143] : memref<3x128x128xf32, #tpu.memory_space<vmem>> -> memref<1x128x128xf32, #tpu.memory_space<vmem>>
    %dma_start3A_145 = tpu.memref_squeeze %dma_start3A_144 : memref<1x128x128xf32, #tpu.memory_space<vmem>> -> memref<128x128xf32, #tpu.memory_space<vmem>>
    tpu.enqueue_dma source(%dma_start3A_145 : memref<128x128xf32, #tpu.memory_space<vmem>>) target(%dma_start3A_141 : memref<128x128xf32, #tpu.memory_space<hbm>>) target_semaphore(%arg14 : memref<!tpu.dma_semaphore, #tpu.memory_space<semaphore_mem>>)
    %dma_wait3A_146 = arith.constant 1 : i32
    %dma_wait3A_147 = arith.constant 0 : i32
    %dma_wait3A_148 = arith.constant 0 : i32
    %dma_wait3A_149 = tpu.memref_slice %arg6[%dma_wait3A_146, %dma_wait3A_147, %dma_wait3A_148] : memref<3x128x128xf32, #tpu.memory_space<vmem>> -> memref<1x128x128xf32, #tpu.memory_space<vmem>>
    %dma_wait3A_150 = tpu.memref_squeeze %dma_wait3A_149 : memref<1x128x128xf32, #tpu.memory_space<vmem>> -> memref<128x128xf32, #tpu.memory_space<vmem>>
    %dma_wait3A_151 = arith.constant 0 : i32
    %dma_wait3A_152 = arith.constant 0 : i32
    %dma_wait3A_153 = tpu.memref_slice %arg2[%dma_wait3A_151, %dma_wait3A_152] : memref<10000x128xf32, #tpu.memory_space<hbm>> -> memref<128x128xf32, #tpu.memory_space<hbm>>
    %dma_wait3A_154 = arith.constant 0 : i32
    %dma_wait3A_155 = arith.constant 0 : i32
    %dma_wait3A_156 = tpu.memref_slice %arg6[%dma_wait3A_146, %dma_wait3A_154, %dma_wait3A_155] : memref<3x128x128xf32, #tpu.memory_space<vmem>> -> memref<1x128x128xf32, #tpu.memory_space<vmem>>
    %dma_wait3A_157 = tpu.memref_squeeze %dma_wait3A_156 : memref<1x128x128xf32, #tpu.memory_space<vmem>> -> memref<128x128xf32, #tpu.memory_space<vmem>>
    %dma_wait3A_158 = arith.constant 0 : i32
    %dma_wait3A_159 = arith.constant 0 : i32
    %dma_wait3A_160 = tpu.memref_slice %arg2[%dma_wait3A_158, %dma_wait3A_159] : memref<10000x128xf32, #tpu.memory_space<hbm>> -> memref<128x128xf32, #tpu.memory_space<hbm>>
    tpu.wait_dma2 semaphore(%arg12 : memref<!tpu.dma_semaphore, #tpu.memory_space<semaphore_mem>>) src(%dma_wait3A_160 : memref<128x128xf32, #tpu.memory_space<hbm>>) dst(%dma_wait3A_157 : memref<128x128xf32, #tpu.memory_space<vmem>>)
    %add3A_161 = arith.constant 799 : i32
    %add3A_162 = arith.addi %mul3A_2, %add3A_161 : i32
    %mul3A_163 = arith.constant 128 : i32
    %mul3A_164 = arith.muli %add3A_162, %mul3A_163 : i32
    %dma_start3A_165 = arith.constant 1 : i32
    %dma_start3A_166 = arith.constant 0 : i32
    %dma_start3A_167 = arith.constant 0 : i32
    %dma_start3A_168 = tpu.memref_slice %arg6[%dma_start3A_165, %dma_start3A_166, %dma_start3A_167] : memref<3x128x128xf32, #tpu.memory_space<vmem>> -> memref<1x128x128xf32, #tpu.memory_space<vmem>>
    %dma_start3A_169 = tpu.memref_squeeze %dma_start3A_168 : memref<1x128x128xf32, #tpu.memory_space<vmem>> -> memref<128x128xf32, #tpu.memory_space<vmem>>
    %dma_start3A_170 = arith.constant 0 : i32
    %dma_start3A_171 = tpu.memref_slice %arg4[%mul3A_164, %dma_start3A_170] : memref<3276800x128xf32, #tpu.memory_space<hbm>> -> memref<128x128xf32, #tpu.memory_space<hbm>>
    %dma_start3A_172 = arith.constant 0 : i32
    %dma_start3A_173 = tpu.memref_slice %arg4[%mul3A_164, %dma_start3A_172] : memref<3276800x128xf32, #tpu.memory_space<hbm>> -> memref<128x128xf32, #tpu.memory_space<hbm>>
    %dma_start3A_174 = arith.constant 0 : i32
    %dma_start3A_175 = arith.constant 0 : i32
    %dma_start3A_176 = tpu.memref_slice %arg6[%dma_start3A_165, %dma_start3A_174, %dma_start3A_175] : memref<3x128x128xf32, #tpu.memory_space<vmem>> -> memref<1x128x128xf32, #tpu.memory_space<vmem>>
    %dma_start3A_177 = tpu.memref_squeeze %dma_start3A_176 : memref<1x128x128xf32, #tpu.memory_space<vmem>> -> memref<128x128xf32, #tpu.memory_space<vmem>>
    tpu.enqueue_dma source(%dma_start3A_177 : memref<128x128xf32, #tpu.memory_space<vmem>>) target(%dma_start3A_173 : memref<128x128xf32, #tpu.memory_space<hbm>>) target_semaphore(%arg15 : memref<!tpu.dma_semaphore, #tpu.memory_space<semaphore_mem>>)
    %dma_wait3A_178 = arith.constant 0 : i32
    %dma_wait3A_179 = arith.constant 0 : i32
    %dma_wait3A_180 = arith.constant 0 : i32
    %dma_wait3A_181 = tpu.memref_slice %arg6[%dma_wait3A_178, %dma_wait3A_179, %dma_wait3A_180] : memref<3x128x128xf32, #tpu.memory_space<vmem>> -> memref<1x128x128xf32, #tpu.memory_space<vmem>>
    %dma_wait3A_182 = tpu.memref_squeeze %dma_wait3A_181 : memref<1x128x128xf32, #tpu.memory_space<vmem>> -> memref<128x128xf32, #tpu.memory_space<vmem>>
    %dma_wait3A_183 = arith.constant 0 : i32
    %dma_wait3A_184 = arith.constant 0 : i32
    %dma_wait3A_185 = tpu.memref_slice %arg4[%dma_wait3A_183, %dma_wait3A_184] : memref<3276800x128xf32, #tpu.memory_space<hbm>> -> memref<128x128xf32, #tpu.memory_space<hbm>>
    %dma_wait3A_186 = arith.constant 0 : i32
    %dma_wait3A_187 = arith.constant 0 : i32
    %dma_wait3A_188 = tpu.memref_slice %arg4[%dma_wait3A_186, %dma_wait3A_187] : memref<3276800x128xf32, #tpu.memory_space<hbm>> -> memref<128x128xf32, #tpu.memory_space<hbm>>
    %dma_wait3A_189 = arith.constant 0 : i32
    %dma_wait3A_190 = arith.constant 0 : i32
    %dma_wait3A_191 = tpu.memref_slice %arg6[%dma_wait3A_178, %dma_wait3A_189, %dma_wait3A_190] : memref<3x128x128xf32, #tpu.memory_space<vmem>> -> memref<1x128x128xf32, #tpu.memory_space<vmem>>
    %dma_wait3A_192 = tpu.memref_squeeze %dma_wait3A_191 : memref<1x128x128xf32, #tpu.memory_space<vmem>> -> memref<128x128xf32, #tpu.memory_space<vmem>>
    tpu.wait_dma2 semaphore(%arg14 : memref<!tpu.dma_semaphore, #tpu.memory_space<semaphore_mem>>) src(%dma_wait3A_192 : memref<128x128xf32, #tpu.memory_space<vmem>>) dst(%dma_wait3A_188 : memref<128x128xf32, #tpu.memory_space<hbm>>)
    %dma_wait3A_193 = arith.constant 1 : i32
    %dma_wait3A_194 = arith.constant 0 : i32
    %dma_wait3A_195 = arith.constant 0 : i32
    %dma_wait3A_196 = tpu.memref_slice %arg6[%dma_wait3A_193, %dma_wait3A_194, %dma_wait3A_195] : memref<3x128x128xf32, #tpu.memory_space<vmem>> -> memref<1x128x128xf32, #tpu.memory_space<vmem>>
    %dma_wait3A_197 = tpu.memref_squeeze %dma_wait3A_196 : memref<1x128x128xf32, #tpu.memory_space<vmem>> -> memref<128x128xf32, #tpu.memory_space<vmem>>
    %dma_wait3A_198 = arith.constant 0 : i32
    %dma_wait3A_199 = arith.constant 0 : i32
    %dma_wait3A_200 = tpu.memref_slice %arg4[%dma_wait3A_198, %dma_wait3A_199] : memref<3276800x128xf32, #tpu.memory_space<hbm>> -> memref<128x128xf32, #tpu.memory_space<hbm>>
    %dma_wait3A_201 = arith.constant 0 : i32
    %dma_wait3A_202 = arith.constant 0 : i32
    %dma_wait3A_203 = tpu.memref_slice %arg4[%dma_wait3A_201, %dma_wait3A_202] : memref<3276800x128xf32, #tpu.memory_space<hbm>> -> memref<128x128xf32, #tpu.memory_space<hbm>>
    %dma_wait3A_204 = arith.constant 0 : i32
    %dma_wait3A_205 = arith.constant 0 : i32
    %dma_wait3A_206 = tpu.memref_slice %arg6[%dma_wait3A_193, %dma_wait3A_204, %dma_wait3A_205] : memref<3x128x128xf32, #tpu.memory_space<vmem>> -> memref<1x128x128xf32, #tpu.memory_space<vmem>>
    %dma_wait3A_207 = tpu.memref_squeeze %dma_wait3A_206 : memref<1x128x128xf32, #tpu.memory_space<vmem>> -> memref<128x128xf32, #tpu.memory_space<vmem>>
    tpu.wait_dma2 semaphore(%arg15 : memref<!tpu.dma_semaphore, #tpu.memory_space<semaphore_mem>>) src(%dma_wait3A_207 : memref<128x128xf32, #tpu.memory_space<vmem>>) dst(%dma_wait3A_203 : memref<128x128xf32, #tpu.memory_space<hbm>>)
    %dma_wait3A_208 = arith.constant 2 : i32
    %dma_wait3A_209 = arith.constant 0 : i32
    %dma_wait3A_210 = arith.constant 0 : i32
    %dma_wait3A_211 = tpu.memref_slice %arg6[%dma_wait3A_208, %dma_wait3A_209, %dma_wait3A_210] : memref<3x128x128xf32, #tpu.memory_space<vmem>> -> memref<1x128x128xf32, #tpu.memory_space<vmem>>
    %dma_wait3A_212 = tpu.memref_squeeze %dma_wait3A_211 : memref<1x128x128xf32, #tpu.memory_space<vmem>> -> memref<128x128xf32, #tpu.memory_space<vmem>>
    %dma_wait3A_213 = arith.constant 0 : i32
    %dma_wait3A_214 = arith.constant 0 : i32
    %dma_wait3A_215 = tpu.memref_slice %arg4[%dma_wait3A_213, %dma_wait3A_214] : memref<3276800x128xf32, #tpu.memory_space<hbm>> -> memref<128x128xf32, #tpu.memory_space<hbm>>
    %dma_wait3A_216 = arith.constant 0 : i32
    %dma_wait3A_217 = arith.constant 0 : i32
    %dma_wait3A_218 = tpu.memref_slice %arg4[%dma_wait3A_216, %dma_wait3A_217] : memref<3276800x128xf32, #tpu.memory_space<hbm>> -> memref<128x128xf32, #tpu.memory_space<hbm>>
    %dma_wait3A_219 = arith.constant 0 : i32
    %dma_wait3A_220 = arith.constant 0 : i32
    %dma_wait3A_221 = tpu.memref_slice %arg6[%dma_wait3A_208, %dma_wait3A_219, %dma_wait3A_220] : memref<3x128x128xf32, #tpu.memory_space<vmem>> -> memref<1x128x128xf32, #tpu.memory_space<vmem>>
    %dma_wait3A_222 = tpu.memref_squeeze %dma_wait3A_221 : memref<1x128x128xf32, #tpu.memory_space<vmem>> -> memref<128x128xf32, #tpu.memory_space<vmem>>
    tpu.wait_dma2 semaphore(%arg16 : memref<!tpu.dma_semaphore, #tpu.memory_space<semaphore_mem>>) src(%dma_wait3A_222 : memref<128x128xf32, #tpu.memory_space<vmem>>) dst(%dma_wait3A_218 : memref<128x128xf32, #tpu.memory_space<hbm>>)
    return
  }
}

</mosaic_0001>

<sc_bundles>
// kernel: kernel.3.cloned.1.call-start
scs
__scs_entry_jumppad:
0x0: {  	(pc) =	sbr.rel $0x88, $3  }
0x1: {  	(tag) =	ssettag $0x0;
	lr =	simm.s32 $0x1  }
0x2: {  	[smem:$0x3F9F] =	sst lr;
	_ =	strace $0xD0000000  }
0x3: {  	_ = 	snop  }
0x4: {  	_ = 	snop  }
0x5: {  	_ = 	snop  }
0x6: {  	_ = 	snop  }
0x7: {  	_ = 	snop  }
__scs_overlays_trampoline_lowered:
0x8: {  	[smem:$0x3FAE] =	sst s0  }
0x9: {  	[smem:$0x3FAF] =	sst s1  }
0xa: {  	[smem:$0x3FB0] =	sst s2  }
0xb: {  	[smem:$0x3FB1] =	sst s3  }
0xc: {  	[smem:$0x3FB2] =	sst s4  }
0xd: {  	[smem:$0x3FB3] =	sst s5  }
0xe: {  	[smem:$0x3FB4] =	sst s6  }
0xf: {  	[smem:$0x3FB5] =	sst s7  }
0x10: {  	[smem:$0x3FB6] =	sst s8  }
0x11: {  	[smem:$0x3FB7] =	sst s9;
	s0 =	simm.s32 @!p0 $0x0  }
0x12: {  	s1 =	sld [smem:$0x3F9D];
	s0 =	simm.s32 @p0 $0x1  }
0x13: {  	[smem:$0x3FB8] =	sst s0;
	s0 =	simm.s32 @!p1 $0x0  }
0x14: {  	s2 =	sld [smem:$0x3F9C];
	s0 =	simm.s32 @p1 $0x1  }
0x15: {  	[smem:$0x3FB9] =	sst s0;
	s0 =	simm.s32 @!p2 $0x0  }
0x16: {  	s3 =	sld [smem:$0x3FDB];
	s0 =	simm.s32 @p2 $0x1  }
0x17: {  	s4 =	simm.s32 $0x1BF5;
	[smem:$0x3FBB] =	sst s0  }
0x18: {  	s0 =	sld [smem:$0x3F9E];
	_ =	swait.ge [sflag:s4], $0x0  }
0x19: {  	s7 =	sld [smem:$0x3F9F]  }
0x1a: {  	s8 =	sadd.s32 $0xFFFFE003, lr  }
0x1b: {  	s9 =	sadd.s32 $0xFFFFFEF7, lr;
	s5 =	simm.s32 $0xFFFFFFFF;
	p2 =	slt.u32 s8, $0xFFFFF086  }
0x1c: {  	p1 =	slt.u32 s9, $0xF7A;
	s5 =	simm.s32 @!p2 $0x0  }
0x1d: {  	s5 =	simm.s32 @p1 $0x1;
	p0 =	seq.s32 s7, s2  }
0x1e: {  	s7 =	smul.u32 @!p0 $0xF7A, s2;
	p2 =	seq.s32 @!p0 s5, $0x0  }
0x1f: {  	s9 =	smul.u32 $0xF7A, s1;
	s8 =	simm.s32 @!p0 $0x1BF5;
	p2 =	por !p2, p0  }
0x20: {  	[sflag:s8] =	ssyncset.s32 @!p0 $0xFFFFF086;
	s6 =	sadd.s32 @!p0 s3, s7;
	s7 =	simm.s32 @!p0 $0x108  }
0x21: {  	s3 =	sadd.s32 s3, s9;
	s6 =	sadd.s32 @!p0 $0x88, s6;
	s7 =	simm.s32 @p2 $0x1082  }
0x22: {  	[simem:s7], [sflag:s8] =	dma.local @!p0 [hbm:s6], $0xF7A  }
0x23: {  	s9 =	sor.u32 $0xD0000000, s2;
	s6 =	simm.s32 $0x108;
	_ =	swait.ge @!p0 [sflag:s8], $0x0  }
0x24: {  	s3 =	sadd.s32 $0x88, s3;
	s6 =	simm.s32 @!p1 $0x1082;
	[sflag:s4] =	ssyncset.s32 $0xFFFFF086  }
0x25: {  	[simem:s6], [sflag:s4] =	dma.local [hbm:s3], $0xF7A  }
0x26: {  	[smem:$0x3F9F] =	sst s1;
	(tag) =	ssettag s2;
	_ =	strace s9  }
0x27: {  	s1 =	sld [smem:$0x3FAF]  }
0x28: {  	s2 =	sld [smem:$0x3FB0]  }
0x29: {  	s4 =	sld [smem:$0x3FB2]  }
0x2a: {  	p0 =	seq.s32 s5, $0x0;
	s5 =	sld [smem:$0x3FB3]  }
0x2b: {  	s6 =	sld [smem:$0x3FB4]  }
0x2c: {  	s7 =	sld [smem:$0x3FB5]  }
0x2d: {  	s3 =	simm.s32 $0x108;
	s8 =	sld [smem:$0x3FB6]  }
0x2e: {  	s3 =	simm.s32 @!p0 $0x1082;
	s9 =	sld [smem:$0x3FB7]  }
0x2f: {  	lr =	sadd.s32 s0, s3;
	s0 =	sld [smem:$0x3FAE]  }
0x30: {  	s3 =	sld [smem:$0x3FB1]  }
0x31: {  	[smem:$0x3FBA] =	sst s10  }
0x32: {  	s10 =	sld [smem:$0x3FB8];
	_ =	sdelay $0x3  }
0x33: {  	p0 =	seq.s32 s10, $0x1;
	s10 =	sld [smem:$0x3FBA];
	_ =	sdelay $0x3  }
0x34: {  	[smem:$0x3FBA] =	sst s10  }
0x35: {  	s10 =	sld [smem:$0x3FB9];
	_ =	sdelay $0x3  }
0x36: {  	p1 =	seq.s32 s10, $0x1;
	s10 =	sld [smem:$0x3FBA];
	_ =	sdelay $0x3  }
0x37: {  	[smem:$0x3FBA] =	sst s10  }
0x38: {  	s10 =	sld [smem:$0x3FBB]  }
0x39: {  	_ = 	snop;
	(pc) =	sbr.ind lr, $3  }
0x3a: {  	_ = 	snop  }
0x3b: {  	_ = 	snop  }
0x3c: {  	p2 =	seq.s32 s10, $0x1;
	s10 =	sld [smem:$0x3FBA]  }
0x3d: {  	_ =	shalt  }
0x3e: {  	_ =	shalt  }
0x3f: {  	_ =	shalt  }
0x40: {  	_ =	shalt  }
0x41: {  	_ =	shalt  }
0x42: {  	_ =	shalt  }
0x43: {  	_ =	shalt  }
0x44: {  	_ =	shalt  }
0x45: {  	_ =	shalt  }
0x46: {  	_ =	shalt  }
0x47: {  	_ =	shalt  }
0x48: {  	_ =	shalt  }
0x49: {  	_ =	shalt  }
0x4a: {  	_ =	shalt  }
0x4b: {  	_ =	shalt  }
0x4c: {  	_ =	shalt  }
0x4d: {  	_ =	shalt  }
0x4e: {  	_ =	shalt  }
0x4f: {  	_ =	shalt  }
0x50: {  	_ =	shalt  }
0x51: {  	_ =	shalt  }
0x52: {  	_ =	shalt  }
0x53: {  	_ =	shalt  }
0x54: {  	_ =	shalt  }
0x55: {  	_ =	shalt  }
0x56: {  	_ =	shalt  }
0x57: {  	_ =	shalt  }
0x58: {  	_ =	shalt  }
0x59: {  	_ =	shalt  }
0x5a: {  	_ =	shalt  }
0x5b: {  	_ =	shalt  }
0x5c: {  	_ =	shalt  }
0x5d: {  	_ =	shalt  }
0x5e: {  	_ =	shalt  }
0x5f: {  	_ =	shalt  }
0x60: {  	_ =	shalt  }
0x61: {  	_ =	shalt  }
0x62: {  	_ =	shalt  }
0x63: {  	_ =	shalt  }
0x64: {  	_ =	shalt  }
0x65: {  	_ =	shalt  }
0x66: {  	_ =	shalt  }
0x67: {  	_ =	shalt  }
0x68: {  	_ =	shalt  }
0x69: {  	_ =	shalt  }
0x6a: {  	_ =	shalt  }
0x6b: {  	_ =	shalt  }
0x6c: {  	_ =	shalt  }
0x6d: {  	_ =	shalt  }
0x6e: {  	_ =	shalt  }
0x6f: {  	_ =	shalt  }
0x70: {  	_ =	shalt  }
0x71: {  	_ =	shalt  }
0x72: {  	_ =	shalt  }
0x73: {  	_ =	shalt  }
0x74: {  	_ =	shalt  }
0x75: {  	_ =	shalt  }
0x76: {  	_ =	shalt  }
0x77: {  	_ =	shalt  }
0x78: {  	_ =	shalt  }
0x79: {  	_ =	shalt  }
0x7a: {  	_ =	shalt  }
0x7b: {  	_ =	shalt  }
0x7c: {  	_ =	shalt  }
0x7d: {  	_ =	shalt  }
0x7e: {  	_ =	shalt  }
0x7f: {  	_ =	shalt  }
0x80: {  	_ =	shalt  }
0x81: {  	_ =	shalt  }
0x82: {  	_ =	shalt  }
0x83: {  	_ =	shalt  }
0x84: {  	_ =	shalt  }
0x85: {  	_ =	shalt  }
0x86: {  	_ =	shalt  }
0x87: {  	_ =	shalt  }
.Lfunc_end0:
.L_simem_size_0:
called_computation_lowered:
.L_overlay_start_0:
0x88: {  	s2 =	sld [smem:$0x3FD9]  }
0x89: {  	s3 =	sld [smem:$0x3FFE];
	_ =	sdelay $0x1  }
0x8a: {  	s1 =	srdreg.scid  }
0x8b: {  	s0 =	sand.u32 $0x1, s1  }
0x8c: {  	s17 =	sshll.u32 s0, $0xA;
	s2 =	sadd.s32 s3, s2  }
0x8d: {  	s2 =	sadd.s32 s2, s17  }
0x8e: {  	[smem:$0x3FC6] =	sst s2  }
0x8f: {  	_ = 	snop  }
0x90: {  	s2 =	sld [smem:$0x3FC8]  }
0x91: {  	s18 =	sld [smem:$0x3FD0];
	(tm) =	ssettm $0x1  }
0x92: {  	s4 =	sld [smem:$0x3FFB];
	_ =	sdelay $0x3  }
0x93: {  	_ =	strace s4  }
0x94: {  	s4 =	sld [smem:$0x3FFC];
	_ =	sdelay $0x3  }
0x95: {  	_ =	strace s4  }
0x96: {  	s4 =	sld [smem:$0x3FFD];
	_ =	sdelay $0x3  }
0x97: {  	_ =	strace s4  }
0x98: {  	_ =	strace $0x8FFFFFFF  }
0x99: {  	s19 =	sld [smem:$0x3FDB];
	_ =	sdelay $0x1  }
0x9a: {  	s5 =	simm.s32 $_scs_section_size  }
0x9b: {  	s6 =	simm.s32 $_size__tile_overlayer_lowered;
	s7 =	simm.s32 $_tile_overlayer_lowered  }
0x9c: {  	s22 =	simm.s32 $0x1BFF;
	s21 =	sshll.u32 s7, $0x1;
	s4 =	sadd.s32 s5, s19  }
0x9d: {  	s8 =	simm.s32 $0x0;
	s20 =	sshll.u32 s6, $0x1;
	s6 =	sadd.s32 s21, s4  }
0x9e: {  	[timem:s8], [sflag:s22] =	dma.local [hbm:s6], s20  }
0x9f: {  	_ =	swait.ge [sflag:s22], s20  }
0xa0: {  	s5 =	ssub.s32 $0x0, s20;
	[sflag:s22] =	ssyncset.done $0x0  }
0xa1: {  	[sflag:s22] =	ssyncadd.s32 s5;
	_ =	sdelay $0x1  }
0xa2: {  	s23 =	simm.s32 $0x1B8B  }
0xa3: {  	_ =	swait.ge [sflag:s23], $0x1  }
0xa4: {  	[sflag:s23] =	ssyncset.done $0x0  }
0xa5: {  	s25 =	simm.s32 $0x1B8E;
	s24 =	sld [smem:$0x3FFE];
	[sflag:s23] =	ssyncadd.s32 $0xFFFFFFFF  }
0xa6: {  	s26 =	simm.s32 $execute0_lowered;
	[smem:$0x3FD2] =	sst s25  }
0xa7: {  	s6 =	sshll.u32 s26, $0x1;
	_ =	strace $0x80000046;
	[dreg:$0x1] =	wrdreg $0xFFFFFFFF  }
0xa8: {  	s28 =	simm.s32 $_size_execute0_lowered;
	s4 =	sadd.s32 s4, s6;
	[dreg:$0x0] =	wrdreg $0x0  }
0xa9: {  	s6 =	sshll.u32 s28, $0x1;
	[dreg:$0x2] =	wrdreg s4  }
0xaa: {  	[dreg:$0x3] =	wrdreg s6  }
0xab: {  	[dreg:$0x4] =	wrdreg $0xC0  }
0xac: {  	_ =	task [dreg:s8], $0x5FFFF  }
0xad: {  	[dreg:$0x1] =	wrdreg $0xFFFFFFFF  }
0xae: {  	[dreg:$0x0] =	wrdreg $0x60  }
0xaf: {  	[dreg:$0x2] =	wrdreg s2  }
0xb0: {  	[dreg:$0x3] =	wrdreg s24  }
0xb1: {  	[dreg:$0x4] =	wrdreg s18  }
0xb2: {  	[dreg:$0x5] =	wrdreg $0xC1800  }
0xb3: {  	[dreg:$0x6] =	wrdreg $0x9  }
0xb4: {  	_ =	task.clear_ibuf [dreg:s8], $0x7FFFF;
	_ =	strace $0x90000046  }
0xb5: {  	s29 =	simm.s32 $0x9;
	_ =	strace $0x80000048  }
0xb6: {  	_ =	swait.ge [sflag:s29], $0x1  }
0xb7: {  	[sflag:s29] =	ssyncadd.s32 $0xFFFFFFFF  }
0xb8: {  	_ =	strace $0x90000048  }
0xb9: {  	_ =	sfence  }
0xba: {  	s30 =	sld [smem:$0x0];
	_ =	sdelay $0x2  }
0xbb: {  	s31 =	sshll.u32 s1, $0xD;
	s1 =	sshrl.u32 s1, $0x2  }
0xbc: {  	s3 =	sand.u32 $0x4000, s31;
	s1 =	sadd.s32 s1, s30  }
0xbd: {  	s0 =	sor.u32 s3, s0;
	s1 =	sshll.u32 s1, $0x11  }
0xbe: {  	s0 =	sor.u32 s1, s0  }
0xbf: {  	s0 =	sadd.s32 $0x8F2B, s0  }
0xc0: {  	[sflag:s0] =	ssyncadd.remote.s32 $0x1  }
0xc1: {  	_ =	sfence.sel $0xFFFF  }
0xc2: {  	[dreg:$0x0] =	wrdreg $0xFFFFFFFF;
	(pc) =	sbr.abs _section_cstart, $3  }
0xc3: {  	[dreg:$0x1] =	wrdreg $0xFFFFFFFF  }
0xc4: {  	_ =	task.clear_ibuf [dreg:s8], $0x2FFFF;
	_ =	strace $0x9FFFFFFF  }
0xc5: {  	(tm) =	ssettm $0x7FFFFFFF  }
tec
execute0_lowered:
.L_overlay_start_1:
0x0: {  	(tag) =	ssettag $0x1  }
0x1: {  	s0 =	rddreg [dreg:$0x0]  }
0x2: {  	s2 =	rddreg [dreg:$0x1]  }
0x3: {  	s5 =	rddreg [dreg:$0x2]  }
0x4: {  	s1 =	rddreg [dreg:$0x3];
	s16 =	stileid.u32  }
0x5: {  	s3 =	simm.s32 $0x0;
	s4 =	srdreg.scid;
	s8 =	smul.u32 $0x4E000, s16  }
0x6: {  	s28 =	simm.s32 $0x8180;
	s29 =	simm.s32 $0x5;
	s10 =	smul.u32 $0x2700, s16  }
0x7: {  	s30 =	simm.s32 $0x7;
	s31 =	simm.s32 $0x6;
	s12 =	smul.u32 $0x640, s16  }
0x8: {  	[smem:$0x7FF] =	sst s3;
	s7 =	sand.u32 $0x1, s4;
	s21 =	smul.u32 $0x6400, s16  }
0x9: {  	s4 =	sadd.s32 $0x400, s2;
	s9 =	sshll.u32 s16, $0x1;
	s14 =	smul.u32 $0x320000, s16  }
0xa: {  	s18 =	sshll.u32 s16, $0x6;
	p0 =	sne.s32 s16, $0xF;
	s20 =	smul.u32 $0x320, s7  }
0xb: {  	_ =	strace $0x80000047;
	s6 =	ssub.s32 $0x2, s7;
	s22 =	smul.u32 $0x3200, s7  }
0xc: {  	s9 =	sor.u32 s7, s9;
	s7 =	smul.u32 $0x190000, s7;
	s15 =	sshrl.u32 s6, $0x1  }
0xd: {  	s8 =	sshrl.u32 s8, $0x2;
	s11 =	smul.u32 $0x3200, s9;
	s17 =	sadd.s32 s0, s10  }
0xe: {  	s9 =	smul.u32 $0xC80000, s9;
	s10 =	sadd.s32 $0x138000, s1;
	s0 =	sadd.s32 $0x27000, s0  }
0xf: {  	s25 =	sadd.s32 s14, s5;
	s2 =	ssub.s32 s6, s15;
	[dreg:$0x5] =	wrdreg s17  }
0x10: {  	s8 =	sadd.s32 s8, s1;
	s6 =	sor.u32 $0x1C0A, s18;
	[dreg:$0x7] =	wrdreg s0  }
0x11: {  	s0 =	sadd.s32 s20, s12;
	s14 =	sadd.s32 s22, s21;
	s15 =	sadd.s32 s7, s25  }
0x12: {  	s20 =	simm.s32 $0x1;
	s21 =	simm.s32 $0x180;
	s22 =	simm.s32 $0x100  }
0x13: {  	s25 =	simm.s32 $0x4;
	[dreg:$0x6] =	wrdreg s6;
	s19 =	sadd.s32 s4, s11  }
0x14: {  	s9 =	sshrl.u32 s9, $0x3;
	s2 =	smax.u32 s2, $0x1;
	[dreg:$0x8] =	wrdreg s19  }
0x15: {  	s0 =	sshll.u32 s0, $0xB;
	s26 =	sshrl.u32 s8, $0x3;
	[dreg:$0xc] =	wrdreg s2  }
0x16: {  	s6 =	sadd.s32 $0x10, s19;
	s9 =	sadd.s32 s5, s9;
	[dreg:$0xd] =	wrdreg s26  }
0x17: {  	s0 =	sadd.s32 s0, s5;
	[dreg:$0x9] =	wrdreg s6;
	s23 =	sadd.s32 $0x18F000, s9  }
0x18: {  	s19 =	simm.s32 $0x80;
	s24 =	sadd.s32 $0x18F800, s9;
	[dreg:$0xa] =	wrdreg s23  }
0x19: {  	s13 =	sadd.s32 $0x800, s0;
	s0 =	sshrl.u32 @!p0 s10, $0x3;
	[dreg:$0xb] =	wrdreg s24  }
0x1a: {  	s26 =	simm.s32 $0x3;
	s5 =	simm.s32 $0x0;
	[dreg:$0xe] =	wrdreg s0  }
0x1b: {  	s23 =	simm.s32 $0x2;
	s24 =	simm.s32 $0x4180;
	s0 =	simm.s32 $0x8  }
.LBB2_1:
0x1c: {  	s2 =	rddreg [dreg:$0x5]  }
0x1d: {  	s6 =	rddreg [dreg:$0x6]  }
0x1e: {  	s7 =	rddreg [dreg:$0xd];
	s8 =	simm.s32 $0xA  }
0x1f: {  	[spmem:s7], [sflag:s6] =	dma.local [hbm:s2], $0x2700  }
0x20: {  	_ =	swait.ge [sflag:s8], $0x2700  }
0x21: {  	[sflag:s8] =	ssyncset.done $0x0;
	s2 =	rddreg [dreg:$0x7]  }
0x22: {  	s7 =	rddreg [dreg:$0xe];
	[sflag:s8] =	ssyncadd.s32 $0xFFFFD900  }
0x23: {  	[spmem:s7], [sflag:s6] =	dma.local @!p0 [hbm:s2], $0x100  }
0x24: {  	s7 =	simm.s32 @!p0 $0xA  }
0x25: {  	_ =	swait.ge @!p0 [sflag:s7], $0x100  }
0x26: {  	[sflag:s7] =	ssyncset.done @!p0 $0x0  }
0x27: {  	[sflag:s7] =	ssyncadd.s32 @!p0 $0xFFFFFF00  }
0x28: {  	[bflag:$0x0] =	sbarrier.arrive $0xFFFF  }
0x29: {  	s9 =	rddreg [dreg:$0x8]  }
0x2a: {  	[tilespmem:s3], [sflag:$0x1] =	stream.linear.gather [hbm4b:s9+s3], $0x80, $0x38;
	[tilespmem:$0x1FA00] =	vst v63  }
0x2b: {  	s10 =	rddreg [dreg:$0x9]  }
0x2c: {  	[tilespmem:s19], [sflag:$0x2] =	stream.linear.gather [hbm4b:s10+s3], $0x80, $0x38;
	[tilespmem:$0x1FA00] =	vst v63  }
0x2d: {  	s11 =	simm.s32 $0x20;
	p1 =	por $0x1, $0x1;
	_ =	swait.ge [sflag:s20], $0x80  }
0x2e: {  	s8 =	sadd.s32 $0x20, s14;
	s7 =	sand.u32 $0x70, s11;
	[sflag:s20] =	ssyncset.done $0x0  }
0x2f: {  	s8 =	sand.u32 $0xFFFFF80, s8;
	s7 =	sadd.s32 s4, s7;
	[sflag:s20] =	ssyncadd.s32 $0xFFFFFF80  }
0x30: {  	[tilespmem:s21], [sflag:$0x4] =	stream.indirect.gather [spmem:s1], $0x80, s3, s19, $0xb8;
	[tilespmem:$0x1FA00] =	vst v63  }
0x31: {  	s7 =	sadd.s32 s8, s7;
	s8 =	simm.s32 @!p1 $0x8  }
0x32: {  	[tilespmem:s22], [sflag:$0x3] =	stream.linear.gather [hbm4b:s7+s3], $0x80, $0x38;
	[tilespmem:$0x1FA00] =	vst v63  }
0x33: {  	_ =	swait.ge @!p1 [sflag:s8], $0x4000  }
0x34: {  	[sflag:s8] =	ssyncset.done @!p1 $0x0  }
0x35: {  	[sflag:s8] =	ssyncadd.s32 @!p1 $0xFFFFC000  }
0x36: {  	_ =	swait.ge [sflag:s23], $0x80  }
0x37: {  	[sflag:s23] =	ssyncset.done $0x0  }
0x38: {  	[sflag:s23] =	ssyncadd.s32 $0xFFFFFF80  }
0x39: {  	[tilespmem:s24], [sflag:$0x5] =	stream.indirect.gather [spmem:s1], $0x80, s19, s19, $0xb8;
	[tilespmem:$0x1FA00] =	vst v63  }
0x3a: {  	s12 =	simm.s32 $0x30;
	_ =	swait.ge [sflag:s25], $0x4000  }
0x3b: {  	s16 =	sadd.s32 $0x30, s14;
	s7 =	sand.u32 $0x70, s12;
	[sflag:s25] =	ssyncset.done $0x0  }
0x3c: {  	s7 =	sadd.s32 s4, s7;
	s8 =	sand.u32 $0xFFFFF80, s16;
	[sflag:s25] =	ssyncadd.s32 $0xFFFFC000  }
0x3d: {  	[hbm4b:s15+s3] =	stream.linear.scatter [tilespmem:s21], [sflag:$0x7], $0x4000, $0x38;
	[tilespmem:$0x1FA00] =	vst v63  }
0x3e: {  	s7 =	sadd.s32 s8, s7;
	s8 =	simm.s32 @!p1 $0x9  }
0x3f: {  	[tilespmem:s3], [sflag:$0x1] =	stream.linear.gather [hbm4b:s7+s3], $0x80, $0x38;
	[tilespmem:$0x1FA00] =	vst v63  }
0x40: {  	_ =	swait.ge @!p1 [sflag:s8], $0x4000  }
0x41: {  	[sflag:s8] =	ssyncset.done @!p1 $0x0  }
0x42: {  	[sflag:s8] =	ssyncadd.s32 @!p1 $0xFFFFC000  }
0x43: {  	_ =	swait.ge [sflag:s26], $0x80  }
0x44: {  	[sflag:s26] =	ssyncset.done $0x0  }
0x45: {  	[sflag:s26] =	ssyncadd.s32 $0xFFFFFF80  }
0x46: {  	[tilespmem:s28], [sflag:$0x6] =	stream.indirect.gather [spmem:s1], $0x80, s22, s19, $0xb8;
	[tilespmem:$0x1FA00] =	vst v63  }
0x47: {  	s17 =	simm.s32 $0x40;
	_ =	swait.ge [sflag:s29], $0x4000  }
0x48: {  	s18 =	sadd.s32 $0x40, s14;
	s7 =	sand.u32 $0x70, s17;
	[sflag:s29] =	ssyncset.done $0x0  }
0x49: {  	s7 =	sadd.s32 s4, s7;
	s8 =	sand.u32 $0xFFFFF80, s18;
	[sflag:s29] =	ssyncadd.s32 $0xFFFFC000  }
0x4a: {  	[hbm4b:s13+s3] =	stream.linear.scatter [tilespmem:s24], [sflag:$0x8], $0x4000, $0x38;
	[tilespmem:$0x1FA00] =	vst v63  }
0x4b: {  	s7 =	sadd.s32 s8, s7  }
0x4c: {  	[tilespmem:s19], [sflag:$0x2] =	stream.linear.gather [hbm4b:s7+s3], $0x80, $0x38;
	[tilespmem:$0x1FA00] =	vst v63  }
0x4d: {  	_ =	swait.ge [sflag:s30], $0x4000  }
0x4e: {  	[sflag:s30] =	ssyncset.done $0x0  }
0x4f: {  	s11 =	simm.s32 $0xA0;
	s9 =	sadd.s32 $0x1800, s13;
	[sflag:s30] =	ssyncadd.s32 $0xFFFFC000  }
0x50: {  	s10 =	simm.s32 $0x70;
	s12 =	sadd.s32 $0x800, s13;
	_ =	swait.ge [sflag:s20], $0x80  }
0x51: {  	s16 =	sadd.s32 $0x1800, s9;
	s17 =	simm.s32 $0x50;
	[sflag:s20] =	ssyncset.done $0x0  }
0x52: {  	s17 =	sand.u32 $0x70, s17;
	s18 =	sadd.s32 $0x50, s14;
	[sflag:s20] =	ssyncadd.s32 $0xFFFFFF80  }
0x53: {  	[tilespmem:s21], [sflag:$0x4] =	stream.indirect.gather [spmem:s1], $0x80, s3, s19, $0xb8;
	[tilespmem:$0x1FA00] =	vst v63  }
0x54: {  	s8 =	sadd.s32 $0x1800, s15;
	s7 =	sadd.s32 $0x800, s9;
	_ =	swait.ge [sflag:s31], $0x4000  }
.LBB2_2:
0x55: {  	s2 =	sand.u32 $0xFFFFF80, s18  }
0x56: {  	s17 =	sadd.s32 s4, s17;
	[sflag:s31] =	ssyncset.done $0x0;
	s18 =	smov.u32 s11  }
0x57: {  	p2 =	seq.s32 s10, $0x40;
	s2 =	sadd.s32 s2, s17;
	[sflag:s31] =	ssyncadd.s32 $0xFFFFC000  }
0x58: {  	[hbm4b:s12+s3] =	stream.linear.scatter [tilespmem:s28], [sflag:$0x9], $0x4000, $0x38;
	[tilespmem:$0x1FA00] =	vst v63  }
0x59: {  	s11 =	sadd.s32 $0x30, s11;
	s17 =	sadd.s32 $0x800, s16;
	s6 =	simm.s32 @!p2 $0x8  }
0x5a: {  	[tilespmem:s22], [sflag:$0x3] =	stream.linear.gather [hbm4b:s2+s3], $0x80, $0x38;
	[tilespmem:$0x1FA00] =	vst v63  }
0x5b: {  	p1 =	sne.s32 s11, $0x3220;
	s12 =	smov.u32 s7;
	_ =	swait.ge @!p2 [sflag:s6], $0x4000  }
0x5c: {  	s7 =	smov.u32 s17;
	[sflag:s6] =	ssyncset.done @!p2 $0x0  }
0x5d: {  	[sflag:s6] =	ssyncadd.s32 @!p2 $0xFFFFC000  }
0x5e: {  	_ =	swait.ge [sflag:s23], $0x80  }
0x5f: {  	[sflag:s23] =	ssyncset.done $0x0  }
0x60: {  	[sflag:s23] =	ssyncadd.s32 $0xFFFFFF80  }
0x61: {  	[tilespmem:s24], [sflag:$0x5] =	stream.indirect.gather [spmem:s1], $0x80, s19, s19, $0xb8;
	[tilespmem:$0x1FA00] =	vst v63  }
0x62: {  	s2 =	sadd.s32 $0xFFFFFFF0, s10;
	_ =	swait.ge [sflag:s25], $0x4000  }
0x63: {  	s6 =	sadd.s32 s14, s2;
	s2 =	sand.u32 $0x70, s2;
	[sflag:s25] =	ssyncset.done $0x0  }
0x64: {  	s6 =	sand.u32 $0xFFFFF80, s6;
	s2 =	sadd.s32 s4, s2;
	[sflag:s25] =	ssyncadd.s32 $0xFFFFC000  }
0x65: {  	[hbm4b:s8+s3] =	stream.linear.scatter [tilespmem:s21], [sflag:$0x7], $0x4000, $0x38;
	[tilespmem:$0x1FA00] =	vst v63  }
0x66: {  	s2 =	sadd.s32 s6, s2;
	s6 =	simm.s32 @!p2 $0x9  }
0x67: {  	[tilespmem:s3], [sflag:$0x1] =	stream.linear.gather [hbm4b:s2+s3], $0x80, $0x38;
	[tilespmem:$0x1FA00] =	vst v63  }
0x68: {  	_ =	swait.ge @!p2 [sflag:s6], $0x4000  }
0x69: {  	[sflag:s6] =	ssyncset.done @!p2 $0x0  }
0x6a: {  	[sflag:s6] =	ssyncadd.s32 @!p2 $0xFFFFC000  }
0x6b: {  	_ =	swait.ge [sflag:s26], $0x80  }
0x6c: {  	[sflag:s26] =	ssyncset.done $0x0  }
0x6d: {  	[sflag:s26] =	ssyncadd.s32 $0xFFFFFF80  }
0x6e: {  	[tilespmem:s28], [sflag:$0x6] =	stream.indirect.gather [spmem:s1], $0x80, s22, s19, $0xb8;
	[tilespmem:$0x1FA00] =	vst v63  }
0x6f: {  	_ =	swait.ge [sflag:s29], $0x4000  }
0x70: {  	s2 =	sadd.s32 s10, s14;
	s6 =	sand.u32 $0x70, s10;
	[sflag:s29] =	ssyncset.done $0x0  }
0x71: {  	s2 =	sand.u32 $0xFFFFF80, s2;
	s6 =	sadd.s32 s4, s6;
	[sflag:s29] =	ssyncadd.s32 $0xFFFFC000  }
0x72: {  	[hbm4b:s9+s3] =	stream.linear.scatter [tilespmem:s24], [sflag:$0x8], $0x4000, $0x38;
	[tilespmem:$0x1FA00] =	vst v63  }
0x73: {  	s10 =	smov.u32 s18;
	s2 =	sadd.s32 s2, s6;
	s9 =	smov.u32 s16  }
0x74: {  	[tilespmem:s19], [sflag:$0x2] =	stream.linear.gather [hbm4b:s2+s3], $0x80, $0x38;
	[tilespmem:$0x1FA00] =	vst v63  }
0x75: {  	_ =	swait.ge [sflag:s30], $0x4000  }
0x76: {  	[sflag:s30] =	ssyncset.done $0x0  }
0x77: {  	[sflag:s30] =	ssyncadd.s32 $0xFFFFC000  }
.Ltmp0:
0x78: {  	_ =	swait.ge [sflag:s20], $0x80;
	(pc) =	sbr.rel @p1 .LBB2_2-.Ltmp0, $4  }
0x79: {  	s8 =	sadd.s32 $0x1800, s8;
	[sflag:s20] =	ssyncset.done $0x0  }
0x7a: {  	s16 =	sadd.s32 $0x1800, s16;
	s2 =	sadd.s32 $0xFFFFFFE0, s10;
	[sflag:s20] =	ssyncadd.s32 $0xFFFFFF80  }
0x7b: {  	[tilespmem:s21], [sflag:$0x4] =	stream.indirect.gather [spmem:s1], $0x80, s3, s19, $0xb8;
	[tilespmem:$0x1FA00] =	vst v63  }
0x7c: {  	s18 =	sadd.s32 s14, s2;
	s17 =	sand.u32 $0x70, s2;
	_ =	swait.ge [sflag:s31], $0x4000  }
0x7d: {  	[sflag:s31] =	ssyncset.done $0x0  }
0x7e: {  	s2 =	sand.u32 $0xFFFFF80, s18;
	s6 =	sadd.s32 s4, s17;
	[sflag:s31] =	ssyncadd.s32 $0xFFFFC000  }
0x7f: {  	[hbm4b:s12+s3] =	stream.linear.scatter [tilespmem:s28], [sflag:$0x9], $0x4000, $0x38;
	[tilespmem:$0x1FA00] =	vst v63  }
0x80: {  	p1 =	seq.s32 s10, $0x40;
	s2 =	sadd.s32 s2, s6  }
0x81: {  	[tilespmem:s22], [sflag:$0x3] =	stream.linear.gather [hbm4b:s2+s3], $0x80, $0x38;
	[tilespmem:$0x1FA00] =	vst v63  }
0x82: {  	s2 =	simm.s32 @!p1 $0x8  }
0x83: {  	_ =	swait.ge @!p1 [sflag:s2], $0x4000  }
0x84: {  	[sflag:s2] =	ssyncset.done @!p1 $0x0  }
0x85: {  	[sflag:s2] =	ssyncadd.s32 @!p1 $0xFFFFC000  }
0x86: {  	_ =	swait.ge [sflag:s23], $0x80  }
0x87: {  	[sflag:s23] =	ssyncset.done $0x0  }
0x88: {  	[sflag:s23] =	ssyncadd.s32 $0xFFFFFF80  }
0x89: {  	[tilespmem:s24], [sflag:$0x5] =	stream.indirect.gather [spmem:s1], $0x80, s19, s19, $0xb8;
	[tilespmem:$0x1FA00] =	vst v63  }
0x8a: {  	_ =	swait.ge [sflag:s25], $0x4000  }
0x8b: {  	[sflag:s25] =	ssyncset.done $0x0  }
0x8c: {  	s6 =	sadd.s32 $0xFFFFFFF0, s10;
	[sflag:s25] =	ssyncadd.s32 $0xFFFFC000  }
0x8d: {  	[hbm4b:s8+s3] =	stream.linear.scatter [tilespmem:s21], [sflag:$0x7], $0x4000, $0x38;
	[tilespmem:$0x1FA00] =	vst v63  }
0x8e: {  	s2 =	sand.u32 $0x70, s6;
	s8 =	sadd.s32 s14, s6  }
0x8f: {  	s2 =	sadd.s32 s4, s2;
	s6 =	sand.u32 $0xFFFFF80, s8  }
0x90: {  	s2 =	sadd.s32 s6, s2  }
0x91: {  	[tilespmem:s3], [sflag:$0x1] =	stream.linear.gather [hbm4b:s2+s3], $0x80, $0x38;
	[tilespmem:$0x1FA00] =	vst v63  }
0x92: {  	s2 =	simm.s32 @!p1 $0x9  }
0x93: {  	_ =	swait.ge @!p1 [sflag:s2], $0x4000  }
0x94: {  	[sflag:s2] =	ssyncset.done @!p1 $0x0  }
0x95: {  	[sflag:s2] =	ssyncadd.s32 @!p1 $0xFFFFC000  }
0x96: {  	_ =	swait.ge [sflag:s26], $0x80  }
0x97: {  	[sflag:s26] =	ssyncset.done $0x0  }
0x98: {  	[sflag:s26] =	ssyncadd.s32 $0xFFFFFF80  }
0x99: {  	[tilespmem:s28], [sflag:$0x6] =	stream.indirect.gather [spmem:s1], $0x80, s22, s19, $0xb8;
	[tilespmem:$0x1FA00] =	vst v63  }
0x9a: {  	_ =	swait.ge [sflag:s29], $0x4000  }
0x9b: {  	[sflag:s29] =	ssyncset.done $0x0  }
0x9c: {  	[sflag:s29] =	ssyncadd.s32 $0xFFFFC000  }
0x9d: {  	[hbm4b:s9+s3] =	stream.linear.scatter [tilespmem:s24], [sflag:$0x8], $0x4000, $0x38;
	[tilespmem:$0x1FA00] =	vst v63  }
0x9e: {  	s11 =	sand.u32 $0x70, s10;
	s9 =	sadd.s32 s10, s14  }
0x9f: {  	s6 =	sadd.s32 s4, s11;
	s2 =	sand.u32 $0xFFFFF80, s9  }
0xa0: {  	s2 =	sadd.s32 s2, s6  }
0xa1: {  	[tilespmem:s19], [sflag:$0x2] =	stream.linear.gather [hbm4b:s2+s3], $0x80, $0x38;
	[tilespmem:$0x1FA00] =	vst v63  }
0xa2: {  	_ =	swait.ge [sflag:s30], $0x4000  }
0xa3: {  	[sflag:s30] =	ssyncset.done $0x0  }
0xa4: {  	[sflag:s30] =	ssyncadd.s32 $0xFFFFC000  }
0xa5: {  	_ =	swait.ge [sflag:s20], $0x80  }
0xa6: {  	[sflag:s20] =	ssyncset.done $0x0  }
0xa7: {  	[sflag:s20] =	ssyncadd.s32 $0xFFFFFF80  }
0xa8: {  	[tilespmem:s21], [sflag:$0x4] =	stream.indirect.gather [spmem:s1], $0x80, s3, s19, $0xb8;
	[tilespmem:$0x1FA00] =	vst v63  }
0xa9: {  	_ =	swait.ge [sflag:s31], $0x4000  }
0xaa: {  	[sflag:s31] =	ssyncset.done $0x0  }
0xab: {  	[sflag:s31] =	ssyncadd.s32 $0xFFFFC000  }
0xac: {  	[hbm4b:s7+s3] =	stream.linear.scatter [tilespmem:s28], [sflag:$0x9], $0x4000, $0x38;
	[tilespmem:$0x1FA00] =	vst v63  }
0xad: {  	_ =	swait.ge [sflag:s0], $0x4000  }
0xae: {  	[sflag:s0] =	ssyncset.done $0x0  }
0xaf: {  	[sflag:s0] =	ssyncadd.s32 $0xFFFFC000  }
0xb0: {  	_ =	swait.ge [sflag:s23], $0x80  }
0xb1: {  	[sflag:s23] =	ssyncset.done $0x0  }
0xb2: {  	[sflag:s23] =	ssyncadd.s32 $0xFFFFFF80  }
0xb3: {  	[tilespmem:s24], [sflag:$0x5] =	stream.indirect.gather [spmem:s1], $0x80, s19, s19, $0xb8;
	[tilespmem:$0x1FA00] =	vst v63  }
0xb4: {  	_ =	swait.ge [sflag:s25], $0x4000  }
0xb5: {  	[sflag:s25] =	ssyncset.done $0x0  }
0xb6: {  	s12 =	rddreg [dreg:$0xa];
	[sflag:s25] =	ssyncadd.s32 $0xFFFFC000  }
0xb7: {  	[hbm4b:s12+s3] =	stream.linear.scatter [tilespmem:s21], [sflag:$0x7], $0x4000, $0x38;
	[tilespmem:$0x1FA00] =	vst v63  }
0xb8: {  	_ =	swait.ge [sflag:s29], $0x4000  }
0xb9: {  	[sflag:s29] =	ssyncset.done $0x0  }
0xba: {  	s16 =	rddreg [dreg:$0xb];
	[sflag:s29] =	ssyncadd.s32 $0xFFFFC000  }
0xbb: {  	[hbm4b:s16+s3] =	stream.linear.scatter [tilespmem:s24], [sflag:$0x8], $0x4000, $0x38;
	[tilespmem:$0x1FA00] =	vst v63  }
0xbc: {  	_ =	swait.ge [sflag:s30], $0x4000  }
0xbd: {  	[sflag:s30] =	ssyncset.done $0x0  }
0xbe: {  	[sflag:s30] =	ssyncadd.s32 $0xFFFFC000  }
0xbf: {  	_ =	swait.ge [sflag:s0], $0x4000  }
0xc0: {  	[sflag:s0] =	ssyncset.done $0x0  }
0xc1: {  	s17 =	simm.s32 $0x9;
	[sflag:s0] =	ssyncadd.s32 $0xFFFFC000  }
0xc2: {  	_ =	swait.ge [sflag:s17], $0x4000  }
0xc3: {  	s5 =	sadd.s32 $0x1, s5;
	s18 =	rddreg [dreg:$0xc]  }
0xc4: {  	p1 =	sne.s32 s5, s18  }
.Ltmp1:
0xc5: {  	_ = 	snop;
	(pc) =	sbr.rel @p1 .LBB2_1-.Ltmp1, $3  }
0xc6: {  	_ =	sdelay $0x1  }
0xc7: {  	[sflag:s17] =	ssyncset.done $0x0  }
0xc8: {  	[sflag:s17] =	ssyncadd.s32 $0xFFFFC000  }
0xc9: {  	_ =	sfence.sel $0x180000  }
0xca: {  	[bflag:$0x0] =	sbarrier.arrive $0xFFFF  }
0xcb: {  	_ =	strace $0x90000047  }
0xcc: {  	s0 =	stileid.u32;
	[bflag:$0x2] =	sbarrier.arrive $0xFFFF  }
0xcd: {  	p0 =	sne.s32 s0, $0x0;
	s0 =	rddreg [dreg:$0x4]  }
0xce: {  	s0 =	sadd.s32 @!p0 $0x100000, s0  }
0xcf: {  	[sflag:s0] =	ssyncadd.tile.s32 @!p0 $0x1;
	_ =	shalt  }
.Lfunc_end2:
_tile_overlayer_lowered:
.L_overlay_start_2:
0xd0: {  	(tag) =	ssettag $0x2  }
0xd1: {  	s0 =	rddreg [dreg:$0x0];
	s2 =	stileid.u32  }
0xd2: {  	s1 =	rddreg [dreg:$0x1];
	p0 =	sne.s32 s2, $0x0  }
0xd3: {  	s3 =	rddreg [dreg:$0x2];
	[bflag:$0x3] =	sbarrier.arrive $0xFFFF;
	s2 =	simm.s32 @!p0 $0x1C0A  }
0xd4: {  	[timem:s3], [sflag:s2] =	dma.local @!p0 [hbm:s0], s1  }
0xd5: {  	s0 =	simm.s32 @!p0 $0xA  }
0xd6: {  	_ =	swait.ge @!p0 [sflag:s0], s1  }
0xd7: {  	s1 =	ssub.s32 @!p0 $0x0, s1;
	[sflag:s0] =	ssyncset.done @!p0 $0x0  }
0xd8: {  	[sflag:s0] =	ssyncadd.s32 @!p0 s1  }
0xd9: {  	[bflag:$0x3] =	sbarrier.arrive $0xFFFF  }
0xda: {  	_ =	shalt  }

</sc_bundles>
